<compile_context>
chip_gen: v7x
topology: tpu7x:2x2x1
jax: 0.10.2.dev20260603
libtpu: 0.0.44.dev20260713+nightly
codegen_flags: <defaults>
</compile_context>

<pallas_src>
import jax
import jax.numpy as jnp
from jax import lax
from jax.experimental import pallas as pl
from jax.experimental.pallas import tpu as pltpu
from jax.experimental.pallas import tpu_sc as plsc

B = 65536
N_ATOMS = 51
V_MIN = -10.0
V_MAX = 10.0
GAMMA = 0.99

NC = 2
NS = 16
LANES = 16
NW = NC * NS
ROWS_PER_W = B // NW
CHUNK = 512
N_CHUNKS = ROWS_PER_W // CHUNK
GROUPS = CHUNK // LANES
ZSTEPS = CHUNK * N_ATOMS // LANES


def _sc_project_body(p_hbm, r_hbm, d_hbm, cv_hbm, t_hbm,
                     p0, p1, t0, t1, r_buf, d_buf, cv_buf,
                     sp0, sp1, st0, st1):
    p_bufs = (p0, p1)
    t_bufs = (t0, t1)
    sps = (sp0, sp1)
    sts = (st0, st1)
    wid = lax.axis_index("c") * NS + lax.axis_index("s")
    iota = lax.iota(jnp.int32, LANES)
    zeros16 = jnp.zeros((LANES,), jnp.float32)
    zero_i = jnp.zeros((LANES,), jnp.int32)

    pltpu.sync_copy(cv_hbm, cv_buf)
    s0 = cv_buf[pl.ds(0, LANES)]
    s1 = cv_buf[pl.ds(LANES, LANES)]
    s2 = cv_buf[pl.ds(2 * LANES, LANES)]

    def issue(c, slot):
        row0 = wid * ROWS_PER_W + c * CHUNK
        return pltpu.async_copy(
            p_hbm.at[pl.ds(row0 * N_ATOMS, CHUNK * N_ATOMS)],
            p_bufs[slot], sps[slot])

    pend = [issue(0, 0), None]
    pend_out = [None, None]
    for c in range(N_CHUNKS):
        slot = c & 1
        if c + 1 < N_CHUNKS:
            pend[1 - slot] = issue(c + 1, 1 - slot)
        row0 = wid * ROWS_PER_W + c * CHUNK
        pltpu.sync_copy(r_hbm.at[pl.ds(row0, CHUNK)], r_buf)
        pltpu.sync_copy(d_hbm.at[pl.ds(row0, CHUNK)], d_buf)
        if pend_out[slot] is not None:
            pend_out[slot].wait()
        t_buf = t_bufs[slot]

        @plsc.parallel_loop(0, ZSTEPS, unroll=8)
        def zbody(i, t_buf=t_buf):
            plsc.store_scatter(t_buf, [i * LANES + iota], zeros16)

        pend[slot].wait()
        p_buf = p_bufs[slot]

        def group_body(g, carry, p_buf=p_buf, t_buf=t_buf):
            base = g * LANES + iota
            rv = plsc.load_gather(r_buf, [base])
            dv = plsc.load_gather(d_buf, [base])
            omd = 1.0 - dv
            a2 = (rv - V_MIN) * s0 + s1 * omd
            b2 = s2 * omd
            rl51 = base * N_ATOMS

            @plsc.parallel_loop(0, N_ATOMS, unroll=3)
            def jbody(j):
                jj = jnp.full((LANES,), j, jnp.int32)
                jf = jj.astype(jnp.float32)
                nb = a2 + b2 * jf
                bb = jnp.minimum(jnp.maximum(nb, 0.0), float(N_ATOMS - 1))
                li = bb.astype(jnp.int32)
                frac = bb - li.astype(jnp.float32)
                ui = jnp.minimum(li + 1, N_ATOMS - 1)
                pv = plsc.load_gather(p_buf, [rl51 + jj])
                plsc.addupdate_scatter(t_buf, [rl51 + li], (1.0 - frac) * pv)
                plsc.addupdate_scatter(t_buf, [rl51 + ui], frac * pv)
            return carry
        lax.fori_loop(0, GROUPS, group_body, 0)

        pend_out[slot] = pltpu.async_copy(
            t_buf, t_hbm.at[pl.ds(row0 * N_ATOMS, CHUNK * N_ATOMS)], sts[slot])

    for po in pend_out:
        if po is not None:
            po.wait()


def _sc_project(p_flat, rewards, dones, cvec):
    run = pl.kernel(
        _sc_project_body,
        out_type=jax.ShapeDtypeStruct((B * N_ATOMS,), jnp.float32),
        mesh=plsc.VectorSubcoreMesh(core_axis_name="c", subcore_axis_name="s"),
        compiler_params=pltpu.CompilerParams(needs_layout_passes=False),
        scratch_types=[
            pltpu.VMEM((CHUNK * N_ATOMS,), jnp.float32),
            pltpu.VMEM((CHUNK * N_ATOMS,), jnp.float32),
            pltpu.VMEM((CHUNK * N_ATOMS,), jnp.float32),
            pltpu.VMEM((CHUNK * N_ATOMS,), jnp.float32),
            pltpu.VMEM((CHUNK,), jnp.float32),
            pltpu.VMEM((CHUNK,), jnp.float32),
            pltpu.VMEM((64,), jnp.float32),
            pltpu.SemaphoreType.DMA,
            pltpu.SemaphoreType.DMA,
            pltpu.SemaphoreType.DMA,
            pltpu.SemaphoreType.DMA,
        ],
    )
    return run(p_flat, rewards, dones, cvec)


TC_R = 2048


def _tc_loss_body(t_ref, old_ref, atoms_ref, oldval_ref, loss_ref, acc_ref):
    m = pl.program_id(0)
    old = old_ref[...]
    logc = jnp.log(jnp.clip(old, 1e-5, 1.0 - 1e-5))
    part = jnp.sum(t_ref[...] * logc)
    prev = jnp.where(m == 0, 0.0, acc_ref[0])
    acc = prev + part
    acc_ref[0] = acc
    oldval_ref[...] = jnp.sum(old * atoms_ref[...], axis=1, keepdims=True)

    @pl.when(m == pl.num_programs(0) - 1)
    def _():
        loss_ref[0] = -acc / B


def _tc_loss(target, old_pmfs, atoms2d):
    return pl.pallas_call(
        _tc_loss_body,
        grid=(B // TC_R,),
        in_specs=[
            pl.BlockSpec((TC_R, N_ATOMS), lambda m: (m, 0)),
            pl.BlockSpec((TC_R, N_ATOMS), lambda m: (m, 0)),
            pl.BlockSpec((1, N_ATOMS), lambda m: (0, 0)),
        ],
        out_specs=[
            pl.BlockSpec((TC_R, 1), lambda m: (m, 0)),
            pl.BlockSpec(memory_space=pltpu.SMEM, block_shape=(1,),
                         index_map=lambda m: (0,)),
        ],
        out_shape=[
            jax.ShapeDtypeStruct((B, 1), jnp.float32),
            jax.ShapeDtypeStruct((1,), jnp.float32),
        ],
        scratch_shapes=[pltpu.SMEM((1,), jnp.float32)],
    )(target, old_pmfs, atoms2d)


def kernel(next_pmfs, rewards, dones, old_pmfs, atoms):
    dz = atoms[1] - atoms[0]
    inv_dz = 1.0 / dz
    s0 = jnp.full((LANES,), inv_dz, jnp.float32)
    s1 = jnp.full((LANES,), GAMMA * V_MIN * inv_dz, jnp.float32)
    s2 = jnp.full((LANES,), GAMMA * dz * inv_dz, jnp.float32)
    cvec = jnp.concatenate([s0, s1, s2, jnp.zeros((LANES,), jnp.float32)])
    t_flat = _sc_project(next_pmfs.reshape(-1), rewards.reshape(-1),
                         dones.reshape(-1), cvec)
    target = t_flat.reshape(B, N_ATOMS)
    old_val2d, loss1 = _tc_loss(target, old_pmfs, atoms.reshape(1, N_ATOMS))
    return (old_val2d.reshape(B), loss1.reshape(()))

# --- scband reference (transcript-rebuilt; emitter-appended) ---
"""Pipeline reference for scband-c51-training-wrapper-8083128451418 (READ-ONLY COPY).

The authoritative reference and input builder live on the scoring server;
editing this copy changes nothing except your own understanding.
"""

import jax, jax.numpy as jnp
import numpy as np

B = 65536
N_ATOMS = 51
V_MIN = -10.0
V_MAX = 10.0
GAMMA = 0.99


def setup_inputs(seed: int = 0) -> dict:
    key = jax.random.key(seed)
    k1, k2, k3, k4 = jax.random.split(key, 4)
    next_pmfs = jax.random.uniform(k1, (B, N_ATOMS), dtype=jnp.float32)
    next_pmfs = next_pmfs / jnp.sum(next_pmfs, axis=-1, keepdims=True)
    rewards = jax.random.normal(k2, (B, 1), dtype=jnp.float32)
    dones = (jax.random.uniform(k3, (B, 1), dtype=jnp.float32) < 0.05).astype(jnp.float32)
    old_pmfs = jax.random.uniform(k4, (B, N_ATOMS), dtype=jnp.float32)
    old_pmfs = old_pmfs / jnp.sum(old_pmfs, axis=-1, keepdims=True)
    atoms = jnp.linspace(V_MIN, V_MAX, N_ATOMS, dtype=jnp.float32)
    return {
        "next_pmfs": next_pmfs,
        "rewards": rewards,
        "dones": dones,
        "old_pmfs": old_pmfs,
        "atoms": atoms,
    }


def reference(next_pmfs, rewards, dones, old_pmfs, atoms):
    # C51 categorical projection (torch train_step, no_grad section)
    next_atoms = rewards + GAMMA * atoms[None, :] * (1.0 - dones)  # [B, N_ATOMS]
    delta_z = atoms[1] - atoms[0]
    tz = jnp.clip(next_atoms, V_MIN, V_MAX)
    b = (tz - V_MIN) / delta_z
    l = jnp.clip(jnp.floor(b), 0.0, N_ATOMS - 1)
    u = jnp.clip(jnp.ceil(b), 0.0, N_ATOMS - 1)
    d_m_l = (u + (l == u).astype(b.dtype) - b) * next_pmfs
    d_m_u = (b - l) * next_pmfs
    # per-row scatter-add (index_add_ per row) via flattened offsets
    row_off = (jnp.arange(B, dtype=jnp.int32) * N_ATOMS)[:, None]
    idx_l = (l.astype(jnp.int32) + row_off).reshape(-1)
    idx_u = (u.astype(jnp.int32) + row_off).reshape(-1)
    flat = jnp.zeros((B * N_ATOMS,), dtype=b.dtype)
    flat = flat.at[idx_l].add(d_m_l.reshape(-1))
    flat = flat.at[idx_u].add(d_m_u.reshape(-1))
    target_pmfs = flat.reshape(B, N_ATOMS)
    # cross-entropy loss against online pmf
    old_clamped = jnp.clip(old_pmfs, 1e-05, 1.0 - 1e-05)
    loss = jnp.mean(-jnp.sum(target_pmfs * jnp.log(old_clamped), axis=-1))
    old_val = jnp.sum(old_pmfs * atoms[None, :], axis=1)
    return (old_val, loss)

if __name__ == "__main__":
    import jax
    _d = setup_inputs()
    print(jax.jit(kernel)(*tuple(_d.values())))

</pallas_src>

<mosaic_0001>
#map = affine_map<(d0, d1) -> (0)>
module attributes {stable_mosaic.version = 14 : i64} {
  func.func @_sc_project_body(%arg0: i32, %arg1: i32, %arg2: memref<3342336xf32, #tpu.memory_space<hbm>>, %arg3: memref<65536xf32, #tpu.memory_space<hbm>>, %arg4: memref<65536xf32, #tpu.memory_space<hbm>>, %arg5: memref<64xf32, #tpu.memory_space<hbm>>, %arg6: memref<3342336xf32, #tpu.memory_space<hbm>>, %arg7: memref<26112xf32, #tpu.memory_space<vmem>>, %arg8: memref<26112xf32, #tpu.memory_space<vmem>>, %arg9: memref<26112xf32, #tpu.memory_space<vmem>>, %arg10: memref<26112xf32, #tpu.memory_space<vmem>>, %arg11: memref<512xf32, #tpu.memory_space<vmem>>, %arg12: memref<512xf32, #tpu.memory_space<vmem>>, %arg13: memref<64xf32, #tpu.memory_space<vmem>>, %arg14: memref<!tpu.dma_semaphore, #tpu.memory_space<semaphore_mem>>, %arg15: memref<!tpu.dma_semaphore, #tpu.memory_space<semaphore_mem>>, %arg16: memref<!tpu.dma_semaphore, #tpu.memory_space<semaphore_mem>>, %arg17: memref<!tpu.dma_semaphore, #tpu.memory_space<semaphore_mem>>) attributes {dimension_semantics = [#tpu.dimension_semantics<core_parallel>, #tpu.dimension_semantics<subcore_parallel>], iteration_bounds = array<i64: 2, 16>, scalar_prefetch = 0 : i64, scratch_operands = 11 : i64, tpu.core_type = #tpu.core_type<sc_vector_subcore>, window_params = [{transform_indices = #map}, {transform_indices = #map}, {transform_indices = #map}, {transform_indices = #map}, {transform_indices = #map}]} {
    %mul3A = arith.constant 16 : i32
    %mul3A_0 = arith.muli %arg0, %mul3A : i32
    %add3A = arith.addi %mul3A_0, %arg1 : i32
    %iota3A = tpu.iota {dimensions = array<i32: 0>} : vector<16xi32>
    %broadcast_in_dim3A = arith.constant 0.000000e+00 : f32
    %broadcast_in_dim3A_1 = vector.broadcast %broadcast_in_dim3A : f32 to vector<16xf32>
    %broadcast_in_dim3A_2 = arith.constant 0 : i32
    %broadcast_in_dim3A_3 = vector.broadcast %broadcast_in_dim3A_2 : i32 to vector<16xi32>
    "tpu.region"() ({
      %run_scoped3A = tpu.sem_alloc : memref<!tpu.dma_semaphore, #tpu.memory_space<semaphore_mem>>
      tpu.enqueue_dma source(%arg5 : memref<64xf32, #tpu.memory_space<hbm>>) target(%arg13 : memref<64xf32, #tpu.memory_space<vmem>>) target_semaphore(%run_scoped3A : memref<!tpu.dma_semaphore, #tpu.memory_space<semaphore_mem>>)
      tpu.wait_dma2 semaphore(%run_scoped3A : memref<!tpu.dma_semaphore, #tpu.memory_space<semaphore_mem>>) src(%arg5 : memref<64xf32, #tpu.memory_space<hbm>>) dst(%arg13 : memref<64xf32, #tpu.memory_space<vmem>>)
      tpu.yield
    }) : () -> ()
    %get3A = arith.constant 0 : index
    %get3A_4 = tpu.vector_load %arg13[%get3A] {strides = array<i32>} : memref<64xf32, #tpu.memory_space<vmem>>, vector<16xf32>,
    %get3A_5 = arith.constant 16 : index
    %get3A_6 = tpu.vector_load %arg13[%get3A_5] {strides = array<i32>} : memref<64xf32, #tpu.memory_space<vmem>>, vector<16xf32>,
    %get3A_7 = arith.constant 32 : index
    %get3A_8 = tpu.vector_load %arg13[%get3A_7] {strides = array<i32>} : memref<64xf32, #tpu.memory_space<vmem>>, vector<16xf32>,
    %mul3A_9 = arith.constant 2048 : i32
    %mul3A_10 = arith.muli %add3A, %mul3A_9 : i32
    %add3A_11 = arith.constant 0 : i32
    %add3A_12 = arith.addi %mul3A_10, %add3A_11 : i32
    %mul3A_13 = arith.constant 51 : i32
    %mul3A_14 = arith.muli %add3A_12, %mul3A_13 : i32
    %dma_start3A = tpu.memref_slice %arg2[%mul3A_14] : memref<3342336xf32, #tpu.memory_space<hbm>> -> memref<26112xf32, #tpu.memory_space<hbm>>
    %dma_start3A_15 = tpu.memref_slice %arg2[%mul3A_14] : memref<3342336xf32, #tpu.memory_space<hbm>> -> memref<26112xf32, #tpu.memory_space<hbm>>
    tpu.enqueue_dma source(%dma_start3A_15 : memref<26112xf32, #tpu.memory_space<hbm>>) target(%arg7 : memref<26112xf32, #tpu.memory_space<vmem>>) target_semaphore(%arg14 : memref<!tpu.dma_semaphore, #tpu.memory_space<semaphore_mem>>)
    %mul3A_16 = arith.constant 2048 : i32
    %mul3A_17 = arith.muli %add3A, %mul3A_16 : i32
    %add3A_18 = arith.constant 512 : i32
    %add3A_19 = arith.addi %mul3A_17, %add3A_18 : i32
    %mul3A_20 = arith.constant 51 : i32
    %mul3A_21 = arith.muli %add3A_19, %mul3A_20 : i32
    %dma_start3A_22 = tpu.memref_slice %arg2[%mul3A_21] : memref<3342336xf32, #tpu.memory_space<hbm>> -> memref<26112xf32, #tpu.memory_space<hbm>>
    %dma_start3A_23 = tpu.memref_slice %arg2[%mul3A_21] : memref<3342336xf32, #tpu.memory_space<hbm>> -> memref<26112xf32, #tpu.memory_space<hbm>>
    tpu.enqueue_dma source(%dma_start3A_23 : memref<26112xf32, #tpu.memory_space<hbm>>) target(%arg8 : memref<26112xf32, #tpu.memory_space<vmem>>) target_semaphore(%arg15 : memref<!tpu.dma_semaphore, #tpu.memory_space<semaphore_mem>>)
    %mul3A_24 = arith.constant 2048 : i32
    %mul3A_25 = arith.muli %add3A, %mul3A_24 : i32
    %add3A_26 = arith.constant 0 : i32
    %add3A_27 = arith.addi %mul3A_25, %add3A_26 : i32
    "tpu.region"() ({
      %run_scoped3A = tpu.sem_alloc : memref<!tpu.dma_semaphore, #tpu.memory_space<semaphore_mem>>
      %dma_start3A_121 = tpu.memref_slice %arg3[%add3A_27] : memref<65536xf32, #tpu.memory_space<hbm>> -> memref<512xf32, #tpu.memory_space<hbm>>
      %dma_start3A_122 = tpu.memref_slice %arg3[%add3A_27] : memref<65536xf32, #tpu.memory_space<hbm>> -> memref<512xf32, #tpu.memory_space<hbm>>
      tpu.enqueue_dma source(%dma_start3A_122 : memref<512xf32, #tpu.memory_space<hbm>>) target(%arg11 : memref<512xf32, #tpu.memory_space<vmem>>) target_semaphore(%run_scoped3A : memref<!tpu.dma_semaphore, #tpu.memory_space<semaphore_mem>>)
      %dma_wait3A_123 = tpu.memref_slice %arg3[%add3A_27] : memref<65536xf32, #tpu.memory_space<hbm>> -> memref<512xf32, #tpu.memory_space<hbm>>
      %dma_wait3A_124 = tpu.memref_slice %arg3[%add3A_27] : memref<65536xf32, #tpu.memory_space<hbm>> -> memref<512xf32, #tpu.memory_space<hbm>>
      tpu.wait_dma2 semaphore(%run_scoped3A : memref<!tpu.dma_semaphore, #tpu.memory_space<semaphore_mem>>) src(%dma_wait3A_124 : memref<512xf32, #tpu.memory_space<hbm>>) dst(%arg11 : memref<512xf32, #tpu.memory_space<vmem>>)
      tpu.yield
    }) : () -> ()
    "tpu.region"() ({
      %run_scoped3A = tpu.sem_alloc : memref<!tpu.dma_semaphore, #tpu.memory_space<semaphore_mem>>
      %dma_start3A_121 = tpu.memref_slice %arg4[%add3A_27] : memref<65536xf32, #tpu.memory_space<hbm>> -> memref<512xf32, #tpu.memory_space<hbm>>
      %dma_start3A_122 = tpu.memref_slice %arg4[%add3A_27] : memref<65536xf32, #tpu.memory_space<hbm>> -> memref<512xf32, #tpu.memory_space<hbm>>
      tpu.enqueue_dma source(%dma_start3A_122 : memref<512xf32, #tpu.memory_space<hbm>>) target(%arg12 : memref<512xf32, #tpu.memory_space<vmem>>) target_semaphore(%run_scoped3A : memref<!tpu.dma_semaphore, #tpu.memory_space<semaphore_mem>>)
      %dma_wait3A_123 = tpu.memref_slice %arg4[%add3A_27] : memref<65536xf32, #tpu.memory_space<hbm>> -> memref<512xf32, #tpu.memory_space<hbm>>
      %dma_wait3A_124 = tpu.memref_slice %arg4[%add3A_27] : memref<65536xf32, #tpu.memory_space<hbm>> -> memref<512xf32, #tpu.memory_space<hbm>>
      tpu.wait_dma2 semaphore(%run_scoped3A : memref<!tpu.dma_semaphore, #tpu.memory_space<semaphore_mem>>) src(%dma_wait3A_124 : memref<512xf32, #tpu.memory_space<hbm>>) dst(%arg12 : memref<512xf32, #tpu.memory_space<vmem>>)
      tpu.yield
    }) : () -> ()
    %parallel_loop3A = arith.constant 0 : i32
    %parallel_loop3A_28 = arith.constant 1632 : i32
    %parallel_loop3A_29 = arith.constant 1 : i32
    scf.for %parallel_loop3A_121 = %parallel_loop3A to %parallel_loop3A_28 step %parallel_loop3A_29  : i32 {
      %parallel_loop3A_122 = arith.constant 16 : i32
      %parallel_loop3A_123 = arith.muli %parallel_loop3A_121, %parallel_loop3A_122 : i32
      %parallel_loop3A_124 = vector.broadcast %parallel_loop3A_123 : i32 to vector<16xi32>
      %parallel_loop3A_125 = arith.addi %parallel_loop3A_124, %iota3A : vector<16xi32>
      tpu.vector_store_idx %arg9[%parallel_loop3A_125], %broadcast_in_dim3A_1 : memref<26112xf32, #tpu.memory_space<vmem>>[vector<16xi32>], vector<16xf32>,
    } {sc.loop_unroll_factor = 8 : i64, sc.parallel_access}
    %dma_wait3A = tpu.memref_slice %arg2[%mul3A_14] : memref<3342336xf32, #tpu.memory_space<hbm>> -> memref<26112xf32, #tpu.memory_space<hbm>>
    %dma_wait3A_30 = tpu.memref_slice %arg2[%mul3A_14] : memref<3342336xf32, #tpu.memory_space<hbm>> -> memref<26112xf32, #tpu.memory_space<hbm>>
    tpu.wait_dma2 semaphore(%arg14 : memref<!tpu.dma_semaphore, #tpu.memory_space<semaphore_mem>>) src(%dma_wait3A_30 : memref<26112xf32, #tpu.memory_space<hbm>>) dst(%arg7 : memref<26112xf32, #tpu.memory_space<vmem>>)
    %scan3A = arith.constant 0 : i32
    %scan3A_31 = arith.constant 0 : i32
    %scan3A_32 = arith.constant 32 : i32
    %scan3A_33 = arith.addi %scan3A_31, %scan3A_32 : i32
    %scan3A_34 = arith.constant 1 : i32
    scf.for %scan3A_121 = %scan3A_31 to %scan3A_33 step %scan3A_34  : i32 {
      %mul3A_122 = arith.constant 16 : i32
      %mul3A_123 = arith.muli %scan3A_121, %mul3A_122 : i32
      %add3A_124 = vector.broadcast %mul3A_123 : i32 to vector<16xi32>
      %add3A_125 = arith.addi %add3A_124, %iota3A : vector<16xi32>
      %gather3A = tpu.vector_load_idx %arg11[%add3A_125] : memref<512xf32, #tpu.memory_space<vmem>>[vector<16xi32>], vector<16xf32>,
      %gather3A_126 = tpu.vector_load_idx %arg12[%add3A_125] : memref<512xf32, #tpu.memory_space<vmem>>[vector<16xi32>], vector<16xf32>,
      %sub3A = arith.constant 1.000000e+00 : f32
      %sub3A_127 = vector.broadcast %sub3A : f32 to vector<16xf32>
      %sub3A_128 = arith.subf %sub3A_127, %gather3A_126 : vector<16xf32>
      %sub3A_129 = arith.constant -1.000000e+01 : f32
      %sub3A_130 = vector.broadcast %sub3A_129 : f32 to vector<16xf32>
      %sub3A_131 = arith.subf %gather3A, %sub3A_130 : vector<16xf32>
      %mul3A_132 = arith.mulf %sub3A_131, %get3A_4 : vector<16xf32>
      %mul3A_133 = arith.mulf %get3A_6, %sub3A_128 : vector<16xf32>
      %add3A_134 = arith.addf %mul3A_132, %mul3A_133 : vector<16xf32>
      %mul3A_135 = arith.mulf %get3A_8, %sub3A_128 : vector<16xf32>
      %mul3A_136 = arith.constant 51 : i32
      %mul3A_137 = vector.broadcast %mul3A_136 : i32 to vector<16xi32>
      %mul3A_138 = arith.muli %add3A_125, %mul3A_137 : vector<16xi32>
      %parallel_loop3A_139 = arith.constant 0 : i32
      %parallel_loop3A_140 = arith.constant 51 : i32
      %parallel_loop3A_141 = arith.constant 1 : i32
      scf.for %parallel_loop3A_142 = %parallel_loop3A_139 to %parallel_loop3A_140 step %parallel_loop3A_141  : i32 {
        %parallel_loop3A_143 = vector.broadcast %parallel_loop3A_142 : i32 to vector<16xi32>
        %parallel_loop3A_144 = arith.sitofp %parallel_loop3A_143 : vector<16xi32> to vector<16xf32>
        %parallel_loop3A_145 = arith.mulf %mul3A_135, %parallel_loop3A_144 : vector<16xf32>
        %parallel_loop3A_146 = arith.addf %add3A_134, %parallel_loop3A_145 : vector<16xf32>
        %parallel_loop3A_147 = arith.constant 0.000000e+00 : f32
        %parallel_loop3A_148 = vector.broadcast %parallel_loop3A_147 : f32 to vector<16xf32>
        %parallel_loop3A_149 = arith.maximumf %parallel_loop3A_146, %parallel_loop3A_148 : vector<16xf32>
        %parallel_loop3A_150 = arith.constant 5.000000e+01 : f32
        %parallel_loop3A_151 = vector.broadcast %parallel_loop3A_150 : f32 to vector<16xf32>
        %parallel_loop3A_152 = arith.minimumf %parallel_loop3A_149, %parallel_loop3A_151 : vector<16xf32>
        %parallel_loop3A_153 = arith.fptosi %parallel_loop3A_152 : vector<16xf32> to vector<16xi32>
        %parallel_loop3A_154 = arith.sitofp %parallel_loop3A_153 : vector<16xi32> to vector<16xf32>
        %parallel_loop3A_155 = arith.subf %parallel_loop3A_152, %parallel_loop3A_154 : vector<16xf32>
        %parallel_loop3A_156 = arith.constant 1 : i32
        %parallel_loop3A_157 = vector.broadcast %parallel_loop3A_156 : i32 to vector<16xi32>
        %parallel_loop3A_158 = arith.addi %parallel_loop3A_153, %parallel_loop3A_157 : vector<16xi32>
        %parallel_loop3A_159 = arith.constant 50 : i32
        %parallel_loop3A_160 = vector.broadcast %parallel_loop3A_159 : i32 to vector<16xi32>
        %parallel_loop3A_161 = arith.minsi %parallel_loop3A_158, %parallel_loop3A_160 : vector<16xi32>
        %parallel_loop3A_162 = arith.addi %mul3A_138, %parallel_loop3A_143 : vector<16xi32>
        %parallel_loop3A_163 = tpu.vector_load_idx %arg7[%parallel_loop3A_162] : memref<26112xf32, #tpu.memory_space<vmem>>[vector<16xi32>], vector<16xf32>,
        %parallel_loop3A_164 = arith.addi %mul3A_138, %parallel_loop3A_153 : vector<16xi32>
        %parallel_loop3A_165 = arith.constant 1.000000e+00 : f32
        %parallel_loop3A_166 = vector.broadcast %parallel_loop3A_165 : f32 to vector<16xf32>
        %parallel_loop3A_167 = arith.subf %parallel_loop3A_166, %parallel_loop3A_155 : vector<16xf32>
        %parallel_loop3A_168 = arith.mulf %parallel_loop3A_167, %parallel_loop3A_163 : vector<16xf32>
        tpu.vector_store_idx %arg9[%parallel_loop3A_164], %parallel_loop3A_168 {add = true} : memref<26112xf32, #tpu.memory_space<vmem>>[vector<16xi32>], vector<16xf32>,
        %parallel_loop3A_169 = arith.addi %mul3A_138, %parallel_loop3A_161 : vector<16xi32>
        %parallel_loop3A_170 = arith.mulf %parallel_loop3A_155, %parallel_loop3A_163 : vector<16xf32>
        tpu.vector_store_idx %arg9[%parallel_loop3A_169], %parallel_loop3A_170 {add = true} : memref<26112xf32, #tpu.memory_space<vmem>>[vector<16xi32>], vector<16xf32>,
      } {sc.loop_unroll_factor = 3 : i64, sc.parallel_access}
    }
    %scan3A_35 = arith.constant 32 : i32
    %mul3A_36 = arith.constant 51 : i32
    %mul3A_37 = arith.muli %add3A_27, %mul3A_36 : i32
    %dma_start3A_38 = tpu.memref_slice %arg6[%mul3A_37] : memref<3342336xf32, #tpu.memory_space<hbm>> -> memref<26112xf32, #tpu.memory_space<hbm>>
    %dma_start3A_39 = tpu.memref_slice %arg6[%mul3A_37] : memref<3342336xf32, #tpu.memory_space<hbm>> -> memref<26112xf32, #tpu.memory_space<hbm>>
    tpu.enqueue_dma source(%arg9 : memref<26112xf32, #tpu.memory_space<vmem>>) target(%dma_start3A_39 : memref<26112xf32, #tpu.memory_space<hbm>>) target_semaphore(%arg16 : memref<!tpu.dma_semaphore, #tpu.memory_space<semaphore_mem>>)
    %mul3A_40 = arith.constant 2048 : i32
    %mul3A_41 = arith.muli %add3A, %mul3A_40 : i32
    %add3A_42 = arith.constant 1024 : i32
    %add3A_43 = arith.addi %mul3A_41, %add3A_42 : i32
    %mul3A_44 = arith.constant 51 : i32
    %mul3A_45 = arith.muli %add3A_43, %mul3A_44 : i32
    %dma_start3A_46 = tpu.memref_slice %arg2[%mul3A_45] : memref<3342336xf32, #tpu.memory_space<hbm>> -> memref<26112xf32, #tpu.memory_space<hbm>>
    %dma_start3A_47 = tpu.memref_slice %arg2[%mul3A_45] : memref<3342336xf32, #tpu.memory_space<hbm>> -> memref<26112xf32, #tpu.memory_space<hbm>>
    tpu.enqueue_dma source(%dma_start3A_47 : memref<26112xf32, #tpu.memory_space<hbm>>) target(%arg7 : memref<26112xf32, #tpu.memory_space<vmem>>) target_semaphore(%arg14 : memref<!tpu.dma_semaphore, #tpu.memory_space<semaphore_mem>>)
    %mul3A_48 = arith.constant 2048 : i32
    %mul3A_49 = arith.muli %add3A, %mul3A_48 : i32
    %add3A_50 = arith.constant 512 : i32
    %add3A_51 = arith.addi %mul3A_49, %add3A_50 : i32
    "tpu.region"() ({
      %run_scoped3A = tpu.sem_alloc : memref<!tpu.dma_semaphore, #tpu.memory_space<semaphore_mem>>
      %dma_start3A_121 = tpu.memref_slice %arg3[%add3A_51] : memref<65536xf32, #tpu.memory_space<hbm>> -> memref<512xf32, #tpu.memory_space<hbm>>
      %dma_start3A_122 = tpu.memref_slice %arg3[%add3A_51] : memref<65536xf32, #tpu.memory_space<hbm>> -> memref<512xf32, #tpu.memory_space<hbm>>
      tpu.enqueue_dma source(%dma_start3A_122 : memref<512xf32, #tpu.memory_space<hbm>>) target(%arg11 : memref<512xf32, #tpu.memory_space<vmem>>) target_semaphore(%run_scoped3A : memref<!tpu.dma_semaphore, #tpu.memory_space<semaphore_mem>>)
      %dma_wait3A_123 = tpu.memref_slice %arg3[%add3A_51] : memref<65536xf32, #tpu.memory_space<hbm>> -> memref<512xf32, #tpu.memory_space<hbm>>
      %dma_wait3A_124 = tpu.memref_slice %arg3[%add3A_51] : memref<65536xf32, #tpu.memory_space<hbm>> -> memref<512xf32, #tpu.memory_space<hbm>>
      tpu.wait_dma2 semaphore(%run_scoped3A : memref<!tpu.dma_semaphore, #tpu.memory_space<semaphore_mem>>) src(%dma_wait3A_124 : memref<512xf32, #tpu.memory_space<hbm>>) dst(%arg11 : memref<512xf32, #tpu.memory_space<vmem>>)
      tpu.yield
    }) : () -> ()
    "tpu.region"() ({
      %run_scoped3A = tpu.sem_alloc : memref<!tpu.dma_semaphore, #tpu.memory_space<semaphore_mem>>
      %dma_start3A_121 = tpu.memref_slice %arg4[%add3A_51] : memref<65536xf32, #tpu.memory_space<hbm>> -> memref<512xf32, #tpu.memory_space<hbm>>
      %dma_start3A_122 = tpu.memref_slice %arg4[%add3A_51] : memref<65536xf32, #tpu.memory_space<hbm>> -> memref<512xf32, #tpu.memory_space<hbm>>
      tpu.enqueue_dma source(%dma_start3A_122 : memref<512xf32, #tpu.memory_space<hbm>>) target(%arg12 : memref<512xf32, #tpu.memory_space<vmem>>) target_semaphore(%run_scoped3A : memref<!tpu.dma_semaphore, #tpu.memory_space<semaphore_mem>>)
      %dma_wait3A_123 = tpu.memref_slice %arg4[%add3A_51] : memref<65536xf32, #tpu.memory_space<hbm>> -> memref<512xf32, #tpu.memory_space<hbm>>
      %dma_wait3A_124 = tpu.memref_slice %arg4[%add3A_51] : memref<65536xf32, #tpu.memory_space<hbm>> -> memref<512xf32, #tpu.memory_space<hbm>>
      tpu.wait_dma2 semaphore(%run_scoped3A : memref<!tpu.dma_semaphore, #tpu.memory_space<semaphore_mem>>) src(%dma_wait3A_124 : memref<512xf32, #tpu.memory_space<hbm>>) dst(%arg12 : memref<512xf32, #tpu.memory_space<vmem>>)
      tpu.yield
    }) : () -> ()
    %parallel_loop3A_52 = arith.constant 0 : i32
    %parallel_loop3A_53 = arith.constant 1632 : i32
    %parallel_loop3A_54 = arith.constant 1 : i32
    scf.for %parallel_loop3A_121 = %parallel_loop3A_52 to %parallel_loop3A_53 step %parallel_loop3A_54  : i32 {
      %parallel_loop3A_122 = arith.constant 16 : i32
      %parallel_loop3A_123 = arith.muli %parallel_loop3A_121, %parallel_loop3A_122 : i32
      %parallel_loop3A_124 = vector.broadcast %parallel_loop3A_123 : i32 to vector<16xi32>
      %parallel_loop3A_125 = arith.addi %parallel_loop3A_124, %iota3A : vector<16xi32>
      tpu.vector_store_idx %arg10[%parallel_loop3A_125], %broadcast_in_dim3A_1 : memref<26112xf32, #tpu.memory_space<vmem>>[vector<16xi32>], vector<16xf32>,
    } {sc.loop_unroll_factor = 8 : i64, sc.parallel_access}
    %dma_wait3A_55 = tpu.memref_slice %arg2[%mul3A_21] : memref<3342336xf32, #tpu.memory_space<hbm>> -> memref<26112xf32, #tpu.memory_space<hbm>>
    %dma_wait3A_56 = tpu.memref_slice %arg2[%mul3A_21] : memref<3342336xf32, #tpu.memory_space<hbm>> -> memref<26112xf32, #tpu.memory_space<hbm>>
    tpu.wait_dma2 semaphore(%arg15 : memref<!tpu.dma_semaphore, #tpu.memory_space<semaphore_mem>>) src(%dma_wait3A_56 : memref<26112xf32, #tpu.memory_space<hbm>>) dst(%arg8 : memref<26112xf32, #tpu.memory_space<vmem>>)
    %scan3A_57 = arith.constant 0 : i32
    %scan3A_58 = arith.constant 0 : i32
    %scan3A_59 = arith.constant 32 : i32
    %scan3A_60 = arith.addi %scan3A_58, %scan3A_59 : i32
    %scan3A_61 = arith.constant 1 : i32
    scf.for %scan3A_121 = %scan3A_58 to %scan3A_60 step %scan3A_61  : i32 {
      %mul3A_122 = arith.constant 16 : i32
      %mul3A_123 = arith.muli %scan3A_121, %mul3A_122 : i32
      %add3A_124 = vector.broadcast %mul3A_123 : i32 to vector<16xi32>
      %add3A_125 = arith.addi %add3A_124, %iota3A : vector<16xi32>
      %gather3A = tpu.vector_load_idx %arg11[%add3A_125] : memref<512xf32, #tpu.memory_space<vmem>>[vector<16xi32>], vector<16xf32>,
      %gather3A_126 = tpu.vector_load_idx %arg12[%add3A_125] : memref<512xf32, #tpu.memory_space<vmem>>[vector<16xi32>], vector<16xf32>,
      %sub3A = arith.constant 1.000000e+00 : f32
      %sub3A_127 = vector.broadcast %sub3A : f32 to vector<16xf32>
      %sub3A_128 = arith.subf %sub3A_127, %gather3A_126 : vector<16xf32>
      %sub3A_129 = arith.constant -1.000000e+01 : f32
      %sub3A_130 = vector.broadcast %sub3A_129 : f32 to vector<16xf32>
      %sub3A_131 = arith.subf %gather3A, %sub3A_130 : vector<16xf32>
      %mul3A_132 = arith.mulf %sub3A_131, %get3A_4 : vector<16xf32>
      %mul3A_133 = arith.mulf %get3A_6, %sub3A_128 : vector<16xf32>
      %add3A_134 = arith.addf %mul3A_132, %mul3A_133 : vector<16xf32>
      %mul3A_135 = arith.mulf %get3A_8, %sub3A_128 : vector<16xf32>
      %mul3A_136 = arith.constant 51 : i32
      %mul3A_137 = vector.broadcast %mul3A_136 : i32 to vector<16xi32>
      %mul3A_138 = arith.muli %add3A_125, %mul3A_137 : vector<16xi32>
      %parallel_loop3A_139 = arith.constant 0 : i32
      %parallel_loop3A_140 = arith.constant 51 : i32
      %parallel_loop3A_141 = arith.constant 1 : i32
      scf.for %parallel_loop3A_142 = %parallel_loop3A_139 to %parallel_loop3A_140 step %parallel_loop3A_141  : i32 {
        %parallel_loop3A_143 = vector.broadcast %parallel_loop3A_142 : i32 to vector<16xi32>
        %parallel_loop3A_144 = arith.sitofp %parallel_loop3A_143 : vector<16xi32> to vector<16xf32>
        %parallel_loop3A_145 = arith.mulf %mul3A_135, %parallel_loop3A_144 : vector<16xf32>
        %parallel_loop3A_146 = arith.addf %add3A_134, %parallel_loop3A_145 : vector<16xf32>
        %parallel_loop3A_147 = arith.constant 0.000000e+00 : f32
        %parallel_loop3A_148 = vector.broadcast %parallel_loop3A_147 : f32 to vector<16xf32>
        %parallel_loop3A_149 = arith.maximumf %parallel_loop3A_146, %parallel_loop3A_148 : vector<16xf32>
        %parallel_loop3A_150 = arith.constant 5.000000e+01 : f32
        %parallel_loop3A_151 = vector.broadcast %parallel_loop3A_150 : f32 to vector<16xf32>
        %parallel_loop3A_152 = arith.minimumf %parallel_loop3A_149, %parallel_loop3A_151 : vector<16xf32>
        %parallel_loop3A_153 = arith.fptosi %parallel_loop3A_152 : vector<16xf32> to vector<16xi32>
        %parallel_loop3A_154 = arith.sitofp %parallel_loop3A_153 : vector<16xi32> to vector<16xf32>
        %parallel_loop3A_155 = arith.subf %parallel_loop3A_152, %parallel_loop3A_154 : vector<16xf32>
        %parallel_loop3A_156 = arith.constant 1 : i32
        %parallel_loop3A_157 = vector.broadcast %parallel_loop3A_156 : i32 to vector<16xi32>
        %parallel_loop3A_158 = arith.addi %parallel_loop3A_153, %parallel_loop3A_157 : vector<16xi32>
        %parallel_loop3A_159 = arith.constant 50 : i32
        %parallel_loop3A_160 = vector.broadcast %parallel_loop3A_159 : i32 to vector<16xi32>
        %parallel_loop3A_161 = arith.minsi %parallel_loop3A_158, %parallel_loop3A_160 : vector<16xi32>
        %parallel_loop3A_162 = arith.addi %mul3A_138, %parallel_loop3A_143 : vector<16xi32>
        %parallel_loop3A_163 = tpu.vector_load_idx %arg8[%parallel_loop3A_162] : memref<26112xf32, #tpu.memory_space<vmem>>[vector<16xi32>], vector<16xf32>,
        %parallel_loop3A_164 = arith.addi %mul3A_138, %parallel_loop3A_153 : vector<16xi32>
        %parallel_loop3A_165 = arith.constant 1.000000e+00 : f32
        %parallel_loop3A_166 = vector.broadcast %parallel_loop3A_165 : f32 to vector<16xf32>
        %parallel_loop3A_167 = arith.subf %parallel_loop3A_166, %parallel_loop3A_155 : vector<16xf32>
        %parallel_loop3A_168 = arith.mulf %parallel_loop3A_167, %parallel_loop3A_163 : vector<16xf32>
        tpu.vector_store_idx %arg10[%parallel_loop3A_164], %parallel_loop3A_168 {add = true} : memref<26112xf32, #tpu.memory_space<vmem>>[vector<16xi32>], vector<16xf32>,
        %parallel_loop3A_169 = arith.addi %mul3A_138, %parallel_loop3A_161 : vector<16xi32>
        %parallel_loop3A_170 = arith.mulf %parallel_loop3A_155, %parallel_loop3A_163 : vector<16xf32>
        tpu.vector_store_idx %arg10[%parallel_loop3A_169], %parallel_loop3A_170 {add = true} : memref<26112xf32, #tpu.memory_space<vmem>>[vector<16xi32>], vector<16xf32>,
      } {sc.loop_unroll_factor = 3 : i64, sc.parallel_access}
    }
    %scan3A_62 = arith.constant 32 : i32
    %mul3A_63 = arith.constant 51 : i32
    %mul3A_64 = arith.muli %add3A_51, %mul3A_63 : i32
    %dma_start3A_65 = tpu.memref_slice %arg6[%mul3A_64] : memref<3342336xf32, #tpu.memory_space<hbm>> -> memref<26112xf32, #tpu.memory_space<hbm>>
    %dma_start3A_66 = tpu.memref_slice %arg6[%mul3A_64] : memref<3342336xf32, #tpu.memory_space<hbm>> -> memref<26112xf32, #tpu.memory_space<hbm>>
    tpu.enqueue_dma source(%arg10 : memref<26112xf32, #tpu.memory_space<vmem>>) target(%dma_start3A_66 : memref<26112xf32, #tpu.memory_space<hbm>>) target_semaphore(%arg17 : memref<!tpu.dma_semaphore, #tpu.memory_space<semaphore_mem>>)
    %mul3A_67 = arith.constant 2048 : i32
    %mul3A_68 = arith.muli %add3A, %mul3A_67 : i32
    %add3A_69 = arith.constant 1536 : i32
    %add3A_70 = arith.addi %mul3A_68, %add3A_69 : i32
    %mul3A_71 = arith.constant 51 : i32
    %mul3A_72 = arith.muli %add3A_70, %mul3A_71 : i32
    %dma_start3A_73 = tpu.memref_slice %arg2[%mul3A_72] : memref<3342336xf32, #tpu.memory_space<hbm>> -> memref<26112xf32, #tpu.memory_space<hbm>>
    %dma_start3A_74 = tpu.memref_slice %arg2[%mul3A_72] : memref<3342336xf32, #tpu.memory_space<hbm>> -> memref<26112xf32, #tpu.memory_space<hbm>>
    tpu.enqueue_dma source(%dma_start3A_74 : memref<26112xf32, #tpu.memory_space<hbm>>) target(%arg8 : memref<26112xf32, #tpu.memory_space<vmem>>) target_semaphore(%arg15 : memref<!tpu.dma_semaphore, #tpu.memory_space<semaphore_mem>>)
    %mul3A_75 = arith.constant 2048 : i32
    %mul3A_76 = arith.muli %add3A, %mul3A_75 : i32
    %add3A_77 = arith.constant 1024 : i32
    %add3A_78 = arith.addi %mul3A_76, %add3A_77 : i32
    "tpu.region"() ({
      %run_scoped3A = tpu.sem_alloc : memref<!tpu.dma_semaphore, #tpu.memory_space<semaphore_mem>>
      %dma_start3A_121 = tpu.memref_slice %arg3[%add3A_78] : memref<65536xf32, #tpu.memory_space<hbm>> -> memref<512xf32, #tpu.memory_space<hbm>>
      %dma_start3A_122 = tpu.memref_slice %arg3[%add3A_78] : memref<65536xf32, #tpu.memory_space<hbm>> -> memref<512xf32, #tpu.memory_space<hbm>>
      tpu.enqueue_dma source(%dma_start3A_122 : memref<512xf32, #tpu.memory_space<hbm>>) target(%arg11 : memref<512xf32, #tpu.memory_space<vmem>>) target_semaphore(%run_scoped3A : memref<!tpu.dma_semaphore, #tpu.memory_space<semaphore_mem>>)
      %dma_wait3A_123 = tpu.memref_slice %arg3[%add3A_78] : memref<65536xf32, #tpu.memory_space<hbm>> -> memref<512xf32, #tpu.memory_space<hbm>>
      %dma_wait3A_124 = tpu.memref_slice %arg3[%add3A_78] : memref<65536xf32, #tpu.memory_space<hbm>> -> memref<512xf32, #tpu.memory_space<hbm>>
      tpu.wait_dma2 semaphore(%run_scoped3A : memref<!tpu.dma_semaphore, #tpu.memory_space<semaphore_mem>>) src(%dma_wait3A_124 : memref<512xf32, #tpu.memory_space<hbm>>) dst(%arg11 : memref<512xf32, #tpu.memory_space<vmem>>)
      tpu.yield
    }) : () -> ()
    "tpu.region"() ({
      %run_scoped3A = tpu.sem_alloc : memref<!tpu.dma_semaphore, #tpu.memory_space<semaphore_mem>>
      %dma_start3A_121 = tpu.memref_slice %arg4[%add3A_78] : memref<65536xf32, #tpu.memory_space<hbm>> -> memref<512xf32, #tpu.memory_space<hbm>>
      %dma_start3A_122 = tpu.memref_slice %arg4[%add3A_78] : memref<65536xf32, #tpu.memory_space<hbm>> -> memref<512xf32, #tpu.memory_space<hbm>>
      tpu.enqueue_dma source(%dma_start3A_122 : memref<512xf32, #tpu.memory_space<hbm>>) target(%arg12 : memref<512xf32, #tpu.memory_space<vmem>>) target_semaphore(%run_scoped3A : memref<!tpu.dma_semaphore, #tpu.memory_space<semaphore_mem>>)
      %dma_wait3A_123 = tpu.memref_slice %arg4[%add3A_78] : memref<65536xf32, #tpu.memory_space<hbm>> -> memref<512xf32, #tpu.memory_space<hbm>>
      %dma_wait3A_124 = tpu.memref_slice %arg4[%add3A_78] : memref<65536xf32, #tpu.memory_space<hbm>> -> memref<512xf32, #tpu.memory_space<hbm>>
      tpu.wait_dma2 semaphore(%run_scoped3A : memref<!tpu.dma_semaphore, #tpu.memory_space<semaphore_mem>>) src(%dma_wait3A_124 : memref<512xf32, #tpu.memory_space<hbm>>) dst(%arg12 : memref<512xf32, #tpu.memory_space<vmem>>)
      tpu.yield
    }) : () -> ()
    %dma_wait3A_79 = tpu.memref_slice %arg6[%mul3A_37] : memref<3342336xf32, #tpu.memory_space<hbm>> -> memref<26112xf32, #tpu.memory_space<hbm>>
    %dma_wait3A_80 = tpu.memref_slice %arg6[%mul3A_37] : memref<3342336xf32, #tpu.memory_space<hbm>> -> memref<26112xf32, #tpu.memory_space<hbm>>
    tpu.wait_dma2 semaphore(%arg16 : memref<!tpu.dma_semaphore, #tpu.memory_space<semaphore_mem>>) src(%arg9 : memref<26112xf32, #tpu.memory_space<vmem>>) dst(%dma_wait3A_80 : memref<26112xf32, #tpu.memory_space<hbm>>)
    %parallel_loop3A_81 = arith.constant 0 : i32
    %parallel_loop3A_82 = arith.constant 1632 : i32
    %parallel_loop3A_83 = arith.constant 1 : i32
    scf.for %parallel_loop3A_121 = %parallel_loop3A_81 to %parallel_loop3A_82 step %parallel_loop3A_83  : i32 {
      %parallel_loop3A_122 = arith.constant 16 : i32
      %parallel_loop3A_123 = arith.muli %parallel_loop3A_121, %parallel_loop3A_122 : i32
      %parallel_loop3A_124 = vector.broadcast %parallel_loop3A_123 : i32 to vector<16xi32>
      %parallel_loop3A_125 = arith.addi %parallel_loop3A_124, %iota3A : vector<16xi32>
      tpu.vector_store_idx %arg9[%parallel_loop3A_125], %broadcast_in_dim3A_1 : memref<26112xf32, #tpu.memory_space<vmem>>[vector<16xi32>], vector<16xf32>,
    } {sc.loop_unroll_factor = 8 : i64, sc.parallel_access}
    %dma_wait3A_84 = tpu.memref_slice %arg2[%mul3A_45] : memref<3342336xf32, #tpu.memory_space<hbm>> -> memref<26112xf32, #tpu.memory_space<hbm>>
    %dma_wait3A_85 = tpu.memref_slice %arg2[%mul3A_45] : memref<3342336xf32, #tpu.memory_space<hbm>> -> memref<26112xf32, #tpu.memory_space<hbm>>
    tpu.wait_dma2 semaphore(%arg14 : memref<!tpu.dma_semaphore, #tpu.memory_space<semaphore_mem>>) src(%dma_wait3A_85 : memref<26112xf32, #tpu.memory_space<hbm>>) dst(%arg7 : memref<26112xf32, #tpu.memory_space<vmem>>)
    %scan3A_86 = arith.constant 0 : i32
    %scan3A_87 = arith.constant 0 : i32
    %scan3A_88 = arith.constant 32 : i32
    %scan3A_89 = arith.addi %scan3A_87, %scan3A_88 : i32
    %scan3A_90 = arith.constant 1 : i32
    scf.for %scan3A_121 = %scan3A_87 to %scan3A_89 step %scan3A_90  : i32 {
      %mul3A_122 = arith.constant 16 : i32
      %mul3A_123 = arith.muli %scan3A_121, %mul3A_122 : i32
      %add3A_124 = vector.broadcast %mul3A_123 : i32 to vector<16xi32>
      %add3A_125 = arith.addi %add3A_124, %iota3A : vector<16xi32>
      %gather3A = tpu.vector_load_idx %arg11[%add3A_125] : memref<512xf32, #tpu.memory_space<vmem>>[vector<16xi32>], vector<16xf32>,
      %gather3A_126 = tpu.vector_load_idx %arg12[%add3A_125] : memref<512xf32, #tpu.memory_space<vmem>>[vector<16xi32>], vector<16xf32>,
      %sub3A = arith.constant 1.000000e+00 : f32
      %sub3A_127 = vector.broadcast %sub3A : f32 to vector<16xf32>
      %sub3A_128 = arith.subf %sub3A_127, %gather3A_126 : vector<16xf32>
      %sub3A_129 = arith.constant -1.000000e+01 : f32
      %sub3A_130 = vector.broadcast %sub3A_129 : f32 to vector<16xf32>
      %sub3A_131 = arith.subf %gather3A, %sub3A_130 : vector<16xf32>
      %mul3A_132 = arith.mulf %sub3A_131, %get3A_4 : vector<16xf32>
      %mul3A_133 = arith.mulf %get3A_6, %sub3A_128 : vector<16xf32>
      %add3A_134 = arith.addf %mul3A_132, %mul3A_133 : vector<16xf32>
      %mul3A_135 = arith.mulf %get3A_8, %sub3A_128 : vector<16xf32>
      %mul3A_136 = arith.constant 51 : i32
      %mul3A_137 = vector.broadcast %mul3A_136 : i32 to vector<16xi32>
      %mul3A_138 = arith.muli %add3A_125, %mul3A_137 : vector<16xi32>
      %parallel_loop3A_139 = arith.constant 0 : i32
      %parallel_loop3A_140 = arith.constant 51 : i32
      %parallel_loop3A_141 = arith.constant 1 : i32
      scf.for %parallel_loop3A_142 = %parallel_loop3A_139 to %parallel_loop3A_140 step %parallel_loop3A_141  : i32 {
        %parallel_loop3A_143 = vector.broadcast %parallel_loop3A_142 : i32 to vector<16xi32>
        %parallel_loop3A_144 = arith.sitofp %parallel_loop3A_143 : vector<16xi32> to vector<16xf32>
        %parallel_loop3A_145 = arith.mulf %mul3A_135, %parallel_loop3A_144 : vector<16xf32>
        %parallel_loop3A_146 = arith.addf %add3A_134, %parallel_loop3A_145 : vector<16xf32>
        %parallel_loop3A_147 = arith.constant 0.000000e+00 : f32
        %parallel_loop3A_148 = vector.broadcast %parallel_loop3A_147 : f32 to vector<16xf32>
        %parallel_loop3A_149 = arith.maximumf %parallel_loop3A_146, %parallel_loop3A_148 : vector<16xf32>
        %parallel_loop3A_150 = arith.constant 5.000000e+01 : f32
        %parallel_loop3A_151 = vector.broadcast %parallel_loop3A_150 : f32 to vector<16xf32>
        %parallel_loop3A_152 = arith.minimumf %parallel_loop3A_149, %parallel_loop3A_151 : vector<16xf32>
        %parallel_loop3A_153 = arith.fptosi %parallel_loop3A_152 : vector<16xf32> to vector<16xi32>
        %parallel_loop3A_154 = arith.sitofp %parallel_loop3A_153 : vector<16xi32> to vector<16xf32>
        %parallel_loop3A_155 = arith.subf %parallel_loop3A_152, %parallel_loop3A_154 : vector<16xf32>
        %parallel_loop3A_156 = arith.constant 1 : i32
        %parallel_loop3A_157 = vector.broadcast %parallel_loop3A_156 : i32 to vector<16xi32>
        %parallel_loop3A_158 = arith.addi %parallel_loop3A_153, %parallel_loop3A_157 : vector<16xi32>
        %parallel_loop3A_159 = arith.constant 50 : i32
        %parallel_loop3A_160 = vector.broadcast %parallel_loop3A_159 : i32 to vector<16xi32>
        %parallel_loop3A_161 = arith.minsi %parallel_loop3A_158, %parallel_loop3A_160 : vector<16xi32>
        %parallel_loop3A_162 = arith.addi %mul3A_138, %parallel_loop3A_143 : vector<16xi32>
        %parallel_loop3A_163 = tpu.vector_load_idx %arg7[%parallel_loop3A_162] : memref<26112xf32, #tpu.memory_space<vmem>>[vector<16xi32>], vector<16xf32>,
        %parallel_loop3A_164 = arith.addi %mul3A_138, %parallel_loop3A_153 : vector<16xi32>
        %parallel_loop3A_165 = arith.constant 1.000000e+00 : f32
        %parallel_loop3A_166 = vector.broadcast %parallel_loop3A_165 : f32 to vector<16xf32>
        %parallel_loop3A_167 = arith.subf %parallel_loop3A_166, %parallel_loop3A_155 : vector<16xf32>
        %parallel_loop3A_168 = arith.mulf %parallel_loop3A_167, %parallel_loop3A_163 : vector<16xf32>
        tpu.vector_store_idx %arg9[%parallel_loop3A_164], %parallel_loop3A_168 {add = true} : memref<26112xf32, #tpu.memory_space<vmem>>[vector<16xi32>], vector<16xf32>,
        %parallel_loop3A_169 = arith.addi %mul3A_138, %parallel_loop3A_161 : vector<16xi32>
        %parallel_loop3A_170 = arith.mulf %parallel_loop3A_155, %parallel_loop3A_163 : vector<16xf32>
        tpu.vector_store_idx %arg9[%parallel_loop3A_169], %parallel_loop3A_170 {add = true} : memref<26112xf32, #tpu.memory_space<vmem>>[vector<16xi32>], vector<16xf32>,
      } {sc.loop_unroll_factor = 3 : i64, sc.parallel_access}
    }
    %scan3A_91 = arith.constant 32 : i32
    %mul3A_92 = arith.constant 51 : i32
    %mul3A_93 = arith.muli %add3A_78, %mul3A_92 : i32
    %dma_start3A_94 = tpu.memref_slice %arg6[%mul3A_93] : memref<3342336xf32, #tpu.memory_space<hbm>> -> memref<26112xf32, #tpu.memory_space<hbm>>
    %dma_start3A_95 = tpu.memref_slice %arg6[%mul3A_93] : memref<3342336xf32, #tpu.memory_space<hbm>> -> memref<26112xf32, #tpu.memory_space<hbm>>
    tpu.enqueue_dma source(%arg9 : memref<26112xf32, #tpu.memory_space<vmem>>) target(%dma_start3A_95 : memref<26112xf32, #tpu.memory_space<hbm>>) target_semaphore(%arg16 : memref<!tpu.dma_semaphore, #tpu.memory_space<semaphore_mem>>)
    %mul3A_96 = arith.constant 2048 : i32
    %mul3A_97 = arith.muli %add3A, %mul3A_96 : i32
    %add3A_98 = arith.constant 1536 : i32
    %add3A_99 = arith.addi %mul3A_97, %add3A_98 : i32
    "tpu.region"() ({
      %run_scoped3A = tpu.sem_alloc : memref<!tpu.dma_semaphore, #tpu.memory_space<semaphore_mem>>
      %dma_start3A_121 = tpu.memref_slice %arg3[%add3A_99] : memref<65536xf32, #tpu.memory_space<hbm>> -> memref<512xf32, #tpu.memory_space<hbm>>
      %dma_start3A_122 = tpu.memref_slice %arg3[%add3A_99] : memref<65536xf32, #tpu.memory_space<hbm>> -> memref<512xf32, #tpu.memory_space<hbm>>
      tpu.enqueue_dma source(%dma_start3A_122 : memref<512xf32, #tpu.memory_space<hbm>>) target(%arg11 : memref<512xf32, #tpu.memory_space<vmem>>) target_semaphore(%run_scoped3A : memref<!tpu.dma_semaphore, #tpu.memory_space<semaphore_mem>>)
      %dma_wait3A_123 = tpu.memref_slice %arg3[%add3A_99] : memref<65536xf32, #tpu.memory_space<hbm>> -> memref<512xf32, #tpu.memory_space<hbm>>
      %dma_wait3A_124 = tpu.memref_slice %arg3[%add3A_99] : memref<65536xf32, #tpu.memory_space<hbm>> -> memref<512xf32, #tpu.memory_space<hbm>>
      tpu.wait_dma2 semaphore(%run_scoped3A : memref<!tpu.dma_semaphore, #tpu.memory_space<semaphore_mem>>) src(%dma_wait3A_124 : memref<512xf32, #tpu.memory_space<hbm>>) dst(%arg11 : memref<512xf32, #tpu.memory_space<vmem>>)
      tpu.yield
    }) : () -> ()
    "tpu.region"() ({
      %run_scoped3A = tpu.sem_alloc : memref<!tpu.dma_semaphore, #tpu.memory_space<semaphore_mem>>
      %dma_start3A_121 = tpu.memref_slice %arg4[%add3A_99] : memref<65536xf32, #tpu.memory_space<hbm>> -> memref<512xf32, #tpu.memory_space<hbm>>
      %dma_start3A_122 = tpu.memref_slice %arg4[%add3A_99] : memref<65536xf32, #tpu.memory_space<hbm>> -> memref<512xf32, #tpu.memory_space<hbm>>
      tpu.enqueue_dma source(%dma_start3A_122 : memref<512xf32, #tpu.memory_space<hbm>>) target(%arg12 : memref<512xf32, #tpu.memory_space<vmem>>) target_semaphore(%run_scoped3A : memref<!tpu.dma_semaphore, #tpu.memory_space<semaphore_mem>>)
      %dma_wait3A_123 = tpu.memref_slice %arg4[%add3A_99] : memref<65536xf32, #tpu.memory_space<hbm>> -> memref<512xf32, #tpu.memory_space<hbm>>
      %dma_wait3A_124 = tpu.memref_slice %arg4[%add3A_99] : memref<65536xf32, #tpu.memory_space<hbm>> -> memref<512xf32, #tpu.memory_space<hbm>>
      tpu.wait_dma2 semaphore(%run_scoped3A : memref<!tpu.dma_semaphore, #tpu.memory_space<semaphore_mem>>) src(%dma_wait3A_124 : memref<512xf32, #tpu.memory_space<hbm>>) dst(%arg12 : memref<512xf32, #tpu.memory_space<vmem>>)
      tpu.yield
    }) : () -> ()
    %dma_wait3A_100 = tpu.memref_slice %arg6[%mul3A_64] : memref<3342336xf32, #tpu.memory_space<hbm>> -> memref<26112xf32, #tpu.memory_space<hbm>>
    %dma_wait3A_101 = tpu.memref_slice %arg6[%mul3A_64] : memref<3342336xf32, #tpu.memory_space<hbm>> -> memref<26112xf32, #tpu.memory_space<hbm>>
    tpu.wait_dma2 semaphore(%arg17 : memref<!tpu.dma_semaphore, #tpu.memory_space<semaphore_mem>>) src(%arg10 : memref<26112xf32, #tpu.memory_space<vmem>>) dst(%dma_wait3A_101 : memref<26112xf32, #tpu.memory_space<hbm>>)
    %parallel_loop3A_102 = arith.constant 0 : i32
    %parallel_loop3A_103 = arith.constant 1632 : i32
    %parallel_loop3A_104 = arith.constant 1 : i32
    scf.for %parallel_loop3A_121 = %parallel_loop3A_102 to %parallel_loop3A_103 step %parallel_loop3A_104  : i32 {
      %parallel_loop3A_122 = arith.constant 16 : i32
      %parallel_loop3A_123 = arith.muli %parallel_loop3A_121, %parallel_loop3A_122 : i32
      %parallel_loop3A_124 = vector.broadcast %parallel_loop3A_123 : i32 to vector<16xi32>
      %parallel_loop3A_125 = arith.addi %parallel_loop3A_124, %iota3A : vector<16xi32>
      tpu.vector_store_idx %arg10[%parallel_loop3A_125], %broadcast_in_dim3A_1 : memref<26112xf32, #tpu.memory_space<vmem>>[vector<16xi32>], vector<16xf32>,
    } {sc.loop_unroll_factor = 8 : i64, sc.parallel_access}
    %dma_wait3A_105 = tpu.memref_slice %arg2[%mul3A_72] : memref<3342336xf32, #tpu.memory_space<hbm>> -> memref<26112xf32, #tpu.memory_space<hbm>>
    %dma_wait3A_106 = tpu.memref_slice %arg2[%mul3A_72] : memref<3342336xf32, #tpu.memory_space<hbm>> -> memref<26112xf32, #tpu.memory_space<hbm>>
    tpu.wait_dma2 semaphore(%arg15 : memref<!tpu.dma_semaphore, #tpu.memory_space<semaphore_mem>>) src(%dma_wait3A_106 : memref<26112xf32, #tpu.memory_space<hbm>>) dst(%arg8 : memref<26112xf32, #tpu.memory_space<vmem>>)
    %scan3A_107 = arith.constant 0 : i32
    %scan3A_108 = arith.constant 0 : i32
    %scan3A_109 = arith.constant 32 : i32
    %scan3A_110 = arith.addi %scan3A_108, %scan3A_109 : i32
    %scan3A_111 = arith.constant 1 : i32
    scf.for %scan3A_121 = %scan3A_108 to %scan3A_110 step %scan3A_111  : i32 {
      %mul3A_122 = arith.constant 16 : i32
      %mul3A_123 = arith.muli %scan3A_121, %mul3A_122 : i32
      %add3A_124 = vector.broadcast %mul3A_123 : i32 to vector<16xi32>
      %add3A_125 = arith.addi %add3A_124, %iota3A : vector<16xi32>
      %gather3A = tpu.vector_load_idx %arg11[%add3A_125] : memref<512xf32, #tpu.memory_space<vmem>>[vector<16xi32>], vector<16xf32>,
      %gather3A_126 = tpu.vector_load_idx %arg12[%add3A_125] : memref<512xf32, #tpu.memory_space<vmem>>[vector<16xi32>], vector<16xf32>,
      %sub3A = arith.constant 1.000000e+00 : f32
      %sub3A_127 = vector.broadcast %sub3A : f32 to vector<16xf32>
      %sub3A_128 = arith.subf %sub3A_127, %gather3A_126 : vector<16xf32>
      %sub3A_129 = arith.constant -1.000000e+01 : f32
      %sub3A_130 = vector.broadcast %sub3A_129 : f32 to vector<16xf32>
      %sub3A_131 = arith.subf %gather3A, %sub3A_130 : vector<16xf32>
      %mul3A_132 = arith.mulf %sub3A_131, %get3A_4 : vector<16xf32>
      %mul3A_133 = arith.mulf %get3A_6, %sub3A_128 : vector<16xf32>
      %add3A_134 = arith.addf %mul3A_132, %mul3A_133 : vector<16xf32>
      %mul3A_135 = arith.mulf %get3A_8, %sub3A_128 : vector<16xf32>
      %mul3A_136 = arith.constant 51 : i32
      %mul3A_137 = vector.broadcast %mul3A_136 : i32 to vector<16xi32>
      %mul3A_138 = arith.muli %add3A_125, %mul3A_137 : vector<16xi32>
      %parallel_loop3A_139 = arith.constant 0 : i32
      %parallel_loop3A_140 = arith.constant 51 : i32
      %parallel_loop3A_141 = arith.constant 1 : i32
      scf.for %parallel_loop3A_142 = %parallel_loop3A_139 to %parallel_loop3A_140 step %parallel_loop3A_141  : i32 {
        %parallel_loop3A_143 = vector.broadcast %parallel_loop3A_142 : i32 to vector<16xi32>
        %parallel_loop3A_144 = arith.sitofp %parallel_loop3A_143 : vector<16xi32> to vector<16xf32>
        %parallel_loop3A_145 = arith.mulf %mul3A_135, %parallel_loop3A_144 : vector<16xf32>
        %parallel_loop3A_146 = arith.addf %add3A_134, %parallel_loop3A_145 : vector<16xf32>
        %parallel_loop3A_147 = arith.constant 0.000000e+00 : f32
        %parallel_loop3A_148 = vector.broadcast %parallel_loop3A_147 : f32 to vector<16xf32>
        %parallel_loop3A_149 = arith.maximumf %parallel_loop3A_146, %parallel_loop3A_148 : vector<16xf32>
        %parallel_loop3A_150 = arith.constant 5.000000e+01 : f32
        %parallel_loop3A_151 = vector.broadcast %parallel_loop3A_150 : f32 to vector<16xf32>
        %parallel_loop3A_152 = arith.minimumf %parallel_loop3A_149, %parallel_loop3A_151 : vector<16xf32>
        %parallel_loop3A_153 = arith.fptosi %parallel_loop3A_152 : vector<16xf32> to vector<16xi32>
        %parallel_loop3A_154 = arith.sitofp %parallel_loop3A_153 : vector<16xi32> to vector<16xf32>
        %parallel_loop3A_155 = arith.subf %parallel_loop3A_152, %parallel_loop3A_154 : vector<16xf32>
        %parallel_loop3A_156 = arith.constant 1 : i32
        %parallel_loop3A_157 = vector.broadcast %parallel_loop3A_156 : i32 to vector<16xi32>
        %parallel_loop3A_158 = arith.addi %parallel_loop3A_153, %parallel_loop3A_157 : vector<16xi32>
        %parallel_loop3A_159 = arith.constant 50 : i32
        %parallel_loop3A_160 = vector.broadcast %parallel_loop3A_159 : i32 to vector<16xi32>
        %parallel_loop3A_161 = arith.minsi %parallel_loop3A_158, %parallel_loop3A_160 : vector<16xi32>
        %parallel_loop3A_162 = arith.addi %mul3A_138, %parallel_loop3A_143 : vector<16xi32>
        %parallel_loop3A_163 = tpu.vector_load_idx %arg8[%parallel_loop3A_162] : memref<26112xf32, #tpu.memory_space<vmem>>[vector<16xi32>], vector<16xf32>,
        %parallel_loop3A_164 = arith.addi %mul3A_138, %parallel_loop3A_153 : vector<16xi32>
        %parallel_loop3A_165 = arith.constant 1.000000e+00 : f32
        %parallel_loop3A_166 = vector.broadcast %parallel_loop3A_165 : f32 to vector<16xf32>
        %parallel_loop3A_167 = arith.subf %parallel_loop3A_166, %parallel_loop3A_155 : vector<16xf32>
        %parallel_loop3A_168 = arith.mulf %parallel_loop3A_167, %parallel_loop3A_163 : vector<16xf32>
        tpu.vector_store_idx %arg10[%parallel_loop3A_164], %parallel_loop3A_168 {add = true} : memref<26112xf32, #tpu.memory_space<vmem>>[vector<16xi32>], vector<16xf32>,
        %parallel_loop3A_169 = arith.addi %mul3A_138, %parallel_loop3A_161 : vector<16xi32>
        %parallel_loop3A_170 = arith.mulf %parallel_loop3A_155, %parallel_loop3A_163 : vector<16xf32>
        tpu.vector_store_idx %arg10[%parallel_loop3A_169], %parallel_loop3A_170 {add = true} : memref<26112xf32, #tpu.memory_space<vmem>>[vector<16xi32>], vector<16xf32>,
      } {sc.loop_unroll_factor = 3 : i64, sc.parallel_access}
    }
    %scan3A_112 = arith.constant 32 : i32
    %mul3A_113 = arith.constant 51 : i32
    %mul3A_114 = arith.muli %add3A_99, %mul3A_113 : i32
    %dma_start3A_115 = tpu.memref_slice %arg6[%mul3A_114] : memref<3342336xf32, #tpu.memory_space<hbm>> -> memref<26112xf32, #tpu.memory_space<hbm>>
    %dma_start3A_116 = tpu.memref_slice %arg6[%mul3A_114] : memref<3342336xf32, #tpu.memory_space<hbm>> -> memref<26112xf32, #tpu.memory_space<hbm>>
    tpu.enqueue_dma source(%arg10 : memref<26112xf32, #tpu.memory_space<vmem>>) target(%dma_start3A_116 : memref<26112xf32, #tpu.memory_space<hbm>>) target_semaphore(%arg17 : memref<!tpu.dma_semaphore, #tpu.memory_space<semaphore_mem>>)
    %dma_wait3A_117 = tpu.memref_slice %arg6[%mul3A_93] : memref<3342336xf32, #tpu.memory_space<hbm>> -> memref<26112xf32, #tpu.memory_space<hbm>>
    %dma_wait3A_118 = tpu.memref_slice %arg6[%mul3A_93] : memref<3342336xf32, #tpu.memory_space<hbm>> -> memref<26112xf32, #tpu.memory_space<hbm>>
    tpu.wait_dma2 semaphore(%arg16 : memref<!tpu.dma_semaphore, #tpu.memory_space<semaphore_mem>>) src(%arg9 : memref<26112xf32, #tpu.memory_space<vmem>>) dst(%dma_wait3A_118 : memref<26112xf32, #tpu.memory_space<hbm>>)
    %dma_wait3A_119 = tpu.memref_slice %arg6[%mul3A_114] : memref<3342336xf32, #tpu.memory_space<hbm>> -> memref<26112xf32, #tpu.memory_space<hbm>>
    %dma_wait3A_120 = tpu.memref_slice %arg6[%mul3A_114] : memref<3342336xf32, #tpu.memory_space<hbm>> -> memref<26112xf32, #tpu.memory_space<hbm>>
    tpu.wait_dma2 semaphore(%arg17 : memref<!tpu.dma_semaphore, #tpu.memory_space<semaphore_mem>>) src(%arg10 : memref<26112xf32, #tpu.memory_space<vmem>>) dst(%dma_wait3A_120 : memref<26112xf32, #tpu.memory_space<hbm>>)
    return
  }
}

module attributes {stable_mosaic.version = 14 : i64} {
  func.func @_tc_loss_body(%arg0: i32, %arg1: memref<2048x51xf32, #tpu.memory_space<vmem>>, %arg2: memref<2048x51xf32, #tpu.memory_space<vmem>>, %arg3: memref<1x51xf32, #tpu.memory_space<vmem>>, %arg4: memref<2048x1xf32, #tpu.memory_space<vmem>>, %arg5: memref<1xf32, #tpu.memory_space<smem>>, %arg6: memref<1xf32, #tpu.memory_space<smem>>) attributes {dimension_semantics = [#tpu.dimension_semantics<arbitrary>], iteration_bounds = array<i64: 32>, scalar_prefetch = 0 : i64, scratch_operands = 1 : i64, tpu.core_type = #tpu.core_type<tc>, window_params = [{transform_indices = @transform_0, window_bounds = array<i64: 2048, 51>}, {transform_indices = @transform_1, window_bounds = array<i64: 2048, 51>}, {pipeline_mode = #tpu.pipeline_mode<synchronous>, transform_indices = @transform_2, window_bounds = array<i64: 1, 51>}, {transform_indices = @transform_3, window_bounds = array<i64: 2048, 1>}, {transform_indices = @transform_4, window_bounds = array<i64: 1>}]} {
    %get3A = arith.constant 0 : index
    %get3A_0 = arith.constant 0 : index
    %get3A_1 = vector.load %arg2[%get3A, %get3A_0] : memref<2048x51xf32, #tpu.memory_space<vmem>>, vector<2048x51xf32>
    %jit3A = arith.constant 9.99999974E-6 : f32
    %jit3A_2 = arith.constant 0.999989986 : f32
    %max3A = vector.broadcast %jit3A : f32 to vector<2048x51xf32>
    %max3A_3 = arith.maximumf %max3A, %get3A_1 : vector<2048x51xf32>
    %min3A = vector.broadcast %jit3A_2 : f32 to vector<2048x51xf32>
    %min3A_4 = arith.minimumf %min3A, %max3A_3 : vector<2048x51xf32>
    %log3A = math.log %min3A_4 : vector<2048x51xf32>
    %get3A_5 = arith.constant 0 : index
    %get3A_6 = arith.constant 0 : index
    %get3A_7 = vector.load %arg1[%get3A_5, %get3A_6] : memref<2048x51xf32, #tpu.memory_space<vmem>>, vector<2048x51xf32>
    %mul3A = arith.mulf %get3A_7, %log3A : vector<2048x51xf32>
    %reduce_sum3A = vector.shape_cast %mul3A : vector<2048x51xf32> to vector<1x2048x51xf32>
    %reduce_sum3A_8 = arith.constant dense<0.000000e+00> : vector<1xf32>
    %reduce_sum3A_9 = vector.multi_reduction <add>, %reduce_sum3A, %reduce_sum3A_8 [1, 2] : vector<1x2048x51xf32> to vector<1xf32>
    %reduce_sum3A_10 = vector.shape_cast %reduce_sum3A_9 : vector<1xf32> to vector<1x1x1xf32>
    %reduce_sum3A_11 = vector.extract %reduce_sum3A_10[0, 0, 0] : f32 from vector<1x1x1xf32>
    %eq3A = arith.constant 0 : i32
    %eq3A_12 = arith.cmpi eq, %arg0, %eq3A : i32
    %get3A_13 = arith.constant 0 : index
    %get3A_14 = memref.load %arg6[%get3A_13] : memref<1xf32, #tpu.memory_space<smem>>
    %jit3A_15 = arith.constant 0.000000e+00 : f32
    %select_n3A = arith.select %eq3A_12, %jit3A_15, %get3A_14 : f32
    %add3A = arith.addf %select_n3A, %reduce_sum3A_11 : f32
    %swap3A = arith.constant 0 : index
    %swap3A_16 = memref.load %arg6[%swap3A] : memref<1xf32, #tpu.memory_space<smem>>
    memref.store %add3A, %arg6[%swap3A] : memref<1xf32, #tpu.memory_space<smem>>
    %get3A_17 = arith.constant 0 : index
    %get3A_18 = arith.constant 0 : index
    %get3A_19 = vector.load %arg3[%get3A_17, %get3A_18] : memref<1x51xf32, #tpu.memory_space<vmem>>, vector<1x51xf32>
    %mul3A_20 = vector.broadcast %get3A_19 : vector<1x51xf32> to vector<2048x51xf32>
    %mul3A_21 = arith.mulf %get3A_1, %mul3A_20 : vector<2048x51xf32>
    %reduce_sum3A_22 = arith.constant dense<0.000000e+00> : vector<2048xf32>
    %reduce_sum3A_23 = vector.multi_reduction <add>, %mul3A_21, %reduce_sum3A_22 [1] : vector<2048x51xf32> to vector<2048xf32>
    %broadcast_in_dim3A = vector.shape_cast %reduce_sum3A_23 : vector<2048xf32> to vector<2048x1xf32>
    %swap3A_24 = arith.constant 0 : index
    %swap3A_25 = arith.constant 0 : index
    %swap3A_26 = vector.load %arg4[%swap3A_24, %swap3A_25] : memref<2048x1xf32, #tpu.memory_space<vmem>>, vector<2048x1xf32>
    tpu.vector_store %arg4[%swap3A_24, %swap3A_25], %broadcast_in_dim3A {strides = array<i32>} : memref<2048x1xf32, #tpu.memory_space<vmem>>, vector<2048x1xf32>,
    %eq3A_27 = arith.constant 31 : i32
    %eq3A_28 = arith.cmpi eq, %arg0, %eq3A_27 : i32
    %convert_element_type3A = arith.extui %eq3A_28 : i1 to i32
    %cond3A = arith.constant 0 : i32
    %cond3A_29 = arith.cmpi ne, %convert_element_type3A, %cond3A : i32
    scf.if %cond3A_29 {
      %neg3A = arith.constant 0.000000e+00 : f32
      %neg3A_30 = arith.subf %neg3A, %add3A : f32
      %div3A = arith.constant 6.553600e+04 : f32
      %div3A_31 = arith.divf %neg3A_30, %div3A : f32
      %swap3A_32 = arith.constant 0 : index
      %swap3A_33 = memref.load %arg5[%swap3A_32] : memref<1xf32, #tpu.memory_space<smem>>
      memref.store %div3A_31, %arg5[%swap3A_32] : memref<1xf32, #tpu.memory_space<smem>>
    } else {
    }
    return
  }
  func.func @transform_0(%arg0: i32) -> (i32, i32) {
    %c0_i32 = arith.constant 0 : i32
    %c0_i32_0 = arith.constant 0 : i32
    return %arg0, %c0_i32 : i32, i32
  }
  func.func @transform_1(%arg0: i32) -> (i32, i32) {
    %c0_i32 = arith.constant 0 : i32
    %c0_i32_0 = arith.constant 0 : i32
    return %arg0, %c0_i32 : i32, i32
  }
  func.func @transform_2(%arg0: i32) -> (i32, i32) {
    %c0_i32 = arith.constant 0 : i32
    %c0_i32_0 = arith.constant 0 : i32
    %c0_i32_1 = arith.constant 0 : i32
    return %c0_i32, %c0_i32_0 : i32, i32
  }
  func.func @transform_3(%arg0: i32) -> (i32, i32) {
    %c0_i32 = arith.constant 0 : i32
    %c0_i32_0 = arith.constant 0 : i32
    return %arg0, %c0_i32 : i32, i32
  }
  func.func @transform_4(%arg0: i32) -> i32 {
    %c0_i32 = arith.constant 0 : i32
    %c0_i32_0 = arith.constant 0 : i32
    return %c0_i32 : i32
  }
}

</mosaic_0001>

<sc_bundles>
// kernel: kernel.4.cloned.1.call-start
scs
__scs_entry_jumppad:
0x0: {  	(pc) =	sbr.rel $0x88, $3  }
0x1: {  	(tag) =	ssettag $0x0;
	lr =	simm.s32 $0x1  }
0x2: {  	[smem:$0x3F9C] =	sst lr;
	_ =	strace $0xD0000000  }
0x3: {  	_ = 	snop  }
0x4: {  	_ = 	snop  }
0x5: {  	_ = 	snop  }
0x6: {  	_ = 	snop  }
0x7: {  	_ = 	snop  }
__scs_overlays_trampoline_lowered:
0x8: {  	[smem:$0x3FAB] =	sst s0  }
0x9: {  	[smem:$0x3FAC] =	sst s1  }
0xa: {  	[smem:$0x3FAD] =	sst s2  }
0xb: {  	[smem:$0x3FAE] =	sst s3  }
0xc: {  	[smem:$0x3FAF] =	sst s4  }
0xd: {  	[smem:$0x3FB0] =	sst s5  }
0xe: {  	[smem:$0x3FB1] =	sst s6  }
0xf: {  	[smem:$0x3FB2] =	sst s7  }
0x10: {  	[smem:$0x3FB3] =	sst s8  }
0x11: {  	[smem:$0x3FB4] =	sst s9;
	s0 =	simm.s32 @!p0 $0x0  }
0x12: {  	s1 =	sld [smem:$0x3F9A];
	s0 =	simm.s32 @p0 $0x1  }
0x13: {  	[smem:$0x3FB5] =	sst s0;
	s0 =	simm.s32 @!p1 $0x0  }
0x14: {  	s2 =	sld [smem:$0x3F99];
	s0 =	simm.s32 @p1 $0x1  }
0x15: {  	[smem:$0x3FB6] =	sst s0;
	s0 =	simm.s32 @!p2 $0x0  }
0x16: {  	s3 =	sld [smem:$0x3FDB];
	s0 =	simm.s32 @p2 $0x1  }
0x17: {  	s4 =	simm.s32 $0x1BF5;
	[smem:$0x3FB8] =	sst s0  }
0x18: {  	s0 =	sld [smem:$0x3F9B];
	_ =	swait.ge [sflag:s4], $0x0  }
0x19: {  	s7 =	sld [smem:$0x3F9C]  }
0x1a: {  	s8 =	sadd.s32 $0xFFFFE003, lr  }
0x1b: {  	s9 =	sadd.s32 $0xFFFFFEF7, lr;
	s5 =	simm.s32 $0xFFFFFFFF;
	p2 =	slt.u32 s8, $0xFFFFF086  }
0x1c: {  	p1 =	slt.u32 s9, $0xF7A;
	s5 =	simm.s32 @!p2 $0x0  }
0x1d: {  	s5 =	simm.s32 @p1 $0x1;
	p0 =	seq.s32 s7, s2  }
0x1e: {  	s7 =	smul.u32 @!p0 $0xF7A, s2;
	p2 =	seq.s32 @!p0 s5, $0x0  }
0x1f: {  	s9 =	smul.u32 $0xF7A, s1;
	s8 =	simm.s32 @!p0 $0x1BF5;
	p2 =	por !p2, p0  }
0x20: {  	[sflag:s8] =	ssyncset.s32 @!p0 $0xFFFFF086;
	s6 =	sadd.s32 @!p0 s3, s7;
	s7 =	simm.s32 @!p0 $0x108  }
0x21: {  	s3 =	sadd.s32 s3, s9;
	s6 =	sadd.s32 @!p0 $0x88, s6;
	s7 =	simm.s32 @p2 $0x1082  }
0x22: {  	[simem:s7], [sflag:s8] =	dma.local @!p0 [hbm:s6], $0xF7A  }
0x23: {  	s9 =	sor.u32 $0xD0000000, s2;
	s6 =	simm.s32 $0x108;
	_ =	swait.ge @!p0 [sflag:s8], $0x0  }
0x24: {  	s3 =	sadd.s32 $0x88, s3;
	s6 =	simm.s32 @!p1 $0x1082;
	[sflag:s4] =	ssyncset.s32 $0xFFFFF086  }
0x25: {  	[simem:s6], [sflag:s4] =	dma.local [hbm:s3], $0xF7A  }
0x26: {  	[smem:$0x3F9C] =	sst s1;
	(tag) =	ssettag s2;
	_ =	strace s9  }
0x27: {  	s1 =	sld [smem:$0x3FAC]  }
0x28: {  	s2 =	sld [smem:$0x3FAD]  }
0x29: {  	s4 =	sld [smem:$0x3FAF]  }
0x2a: {  	p0 =	seq.s32 s5, $0x0;
	s5 =	sld [smem:$0x3FB0]  }
0x2b: {  	s6 =	sld [smem:$0x3FB1]  }
0x2c: {  	s7 =	sld [smem:$0x3FB2]  }
0x2d: {  	s3 =	simm.s32 $0x108;
	s8 =	sld [smem:$0x3FB3]  }
0x2e: {  	s3 =	simm.s32 @!p0 $0x1082;
	s9 =	sld [smem:$0x3FB4]  }
0x2f: {  	lr =	sadd.s32 s0, s3;
	s0 =	sld [smem:$0x3FAB]  }
0x30: {  	s3 =	sld [smem:$0x3FAE]  }
0x31: {  	[smem:$0x3FB7] =	sst s10  }
0x32: {  	s10 =	sld [smem:$0x3FB5];
	_ =	sdelay $0x3  }
0x33: {  	p0 =	seq.s32 s10, $0x1;
	s10 =	sld [smem:$0x3FB7];
	_ =	sdelay $0x3  }
0x34: {  	[smem:$0x3FB7] =	sst s10  }
0x35: {  	s10 =	sld [smem:$0x3FB6];
	_ =	sdelay $0x3  }
0x36: {  	p1 =	seq.s32 s10, $0x1;
	s10 =	sld [smem:$0x3FB7];
	_ =	sdelay $0x3  }
0x37: {  	[smem:$0x3FB7] =	sst s10  }
0x38: {  	s10 =	sld [smem:$0x3FB8]  }
0x39: {  	_ = 	snop;
	(pc) =	sbr.ind lr, $3  }
0x3a: {  	_ = 	snop  }
0x3b: {  	_ = 	snop  }
0x3c: {  	p2 =	seq.s32 s10, $0x1;
	s10 =	sld [smem:$0x3FB7]  }
0x3d: {  	_ =	shalt  }
0x3e: {  	_ =	shalt  }
0x3f: {  	_ =	shalt  }
0x40: {  	_ =	shalt  }
0x41: {  	_ =	shalt  }
0x42: {  	_ =	shalt  }
0x43: {  	_ =	shalt  }
0x44: {  	_ =	shalt  }
0x45: {  	_ =	shalt  }
0x46: {  	_ =	shalt  }
0x47: {  	_ =	shalt  }
0x48: {  	_ =	shalt  }
0x49: {  	_ =	shalt  }
0x4a: {  	_ =	shalt  }
0x4b: {  	_ =	shalt  }
0x4c: {  	_ =	shalt  }
0x4d: {  	_ =	shalt  }
0x4e: {  	_ =	shalt  }
0x4f: {  	_ =	shalt  }
0x50: {  	_ =	shalt  }
0x51: {  	_ =	shalt  }
0x52: {  	_ =	shalt  }
0x53: {  	_ =	shalt  }
0x54: {  	_ =	shalt  }
0x55: {  	_ =	shalt  }
0x56: {  	_ =	shalt  }
0x57: {  	_ =	shalt  }
0x58: {  	_ =	shalt  }
0x59: {  	_ =	shalt  }
0x5a: {  	_ =	shalt  }
0x5b: {  	_ =	shalt  }
0x5c: {  	_ =	shalt  }
0x5d: {  	_ =	shalt  }
0x5e: {  	_ =	shalt  }
0x5f: {  	_ =	shalt  }
0x60: {  	_ =	shalt  }
0x61: {  	_ =	shalt  }
0x62: {  	_ =	shalt  }
0x63: {  	_ =	shalt  }
0x64: {  	_ =	shalt  }
0x65: {  	_ =	shalt  }
0x66: {  	_ =	shalt  }
0x67: {  	_ =	shalt  }
0x68: {  	_ =	shalt  }
0x69: {  	_ =	shalt  }
0x6a: {  	_ =	shalt  }
0x6b: {  	_ =	shalt  }
0x6c: {  	_ =	shalt  }
0x6d: {  	_ =	shalt  }
0x6e: {  	_ =	shalt  }
0x6f: {  	_ =	shalt  }
0x70: {  	_ =	shalt  }
0x71: {  	_ =	shalt  }
0x72: {  	_ =	shalt  }
0x73: {  	_ =	shalt  }
0x74: {  	_ =	shalt  }
0x75: {  	_ =	shalt  }
0x76: {  	_ =	shalt  }
0x77: {  	_ =	shalt  }
0x78: {  	_ =	shalt  }
0x79: {  	_ =	shalt  }
0x7a: {  	_ =	shalt  }
0x7b: {  	_ =	shalt  }
0x7c: {  	_ =	shalt  }
0x7d: {  	_ =	shalt  }
0x7e: {  	_ =	shalt  }
0x7f: {  	_ =	shalt  }
0x80: {  	_ =	shalt  }
0x81: {  	_ =	shalt  }
0x82: {  	_ =	shalt  }
0x83: {  	_ =	shalt  }
0x84: {  	_ =	shalt  }
0x85: {  	_ =	shalt  }
0x86: {  	_ =	shalt  }
0x87: {  	_ =	shalt  }
.Lfunc_end0:
.L_simem_size_0:
called_computation_lowered:
.L_overlay_start_0:
0x88: {  	s2 =	sld [smem:$0x3FD9]  }
0x89: {  	s3 =	sld [smem:$0x3FFE];
	_ =	sdelay $0x1  }
0x8a: {  	s1 =	srdreg.scid  }
0x8b: {  	s0 =	sand.u32 $0x1, s1  }
0x8c: {  	s14 =	sshll.u32 s0, $0xA;
	s2 =	sadd.s32 s3, s2  }
0x8d: {  	s2 =	sadd.s32 s2, s14  }
0x8e: {  	[smem:$0x3FC3] =	sst s2  }
0x8f: {  	_ = 	snop  }
0x90: {  	s2 =	sld [smem:$0x3FD0];
	_ =	sdelay $0x1  }
0x91: {  	s15 =	sld [smem:$0x3FC8]  }
0x92: {  	s5 =	simm.s32 $0xA;
	s6 =	simm.s32 $0x10;
	s4 =	sld [smem:$0x3FC7]  }
0x93: {  	[smem:s6], [sflag:s5] =	dma.local [hbm:s2], $0x1  }
0x94: {  	_ =	swait.eq [sflag:s5], $0x1  }
0x95: {  	[sflag:s5] =	ssyncset.done $0x0  }
0x96: {  	[sflag:s5] =	ssyncadd.s32 $0xFFFFFFFF  }
0x97: {  	s16 =	sld [smem:$0x11];
	(tm) =	ssettm $0x1  }
0x98: {  	s17 =	sld [smem:$0x3FFB];
	_ =	sdelay $0x3  }
0x99: {  	_ =	strace s17  }
0x9a: {  	s5 =	sld [smem:$0x3FFC];
	_ =	sdelay $0x3  }
0x9b: {  	_ =	strace s5  }
0x9c: {  	s5 =	sld [smem:$0x3FFD];
	_ =	sdelay $0x3  }
0x9d: {  	_ =	strace s5  }
0x9e: {  	_ =	strace $0x8FFFFFFF  }
0x9f: {  	s18 =	sld [smem:$0x3FDB];
	_ =	sdelay $0x1  }
0xa0: {  	s19 =	simm.s32 $_scs_section_size  }
0xa1: {  	s7 =	simm.s32 $_size__tile_overlayer_lowered;
	s8 =	simm.s32 $_tile_overlayer_lowered  }
0xa2: {  	s22 =	simm.s32 $0x1BFF;
	s21 =	sshll.u32 s8, $0x1;
	s5 =	sadd.s32 s19, s18  }
0xa3: {  	s9 =	simm.s32 $0x0;
	s20 =	sshll.u32 s7, $0x1;
	s7 =	sadd.s32 s21, s5  }
0xa4: {  	[timem:s9], [sflag:s22] =	dma.local [hbm:s7], s20  }
0xa5: {  	_ =	swait.ge [sflag:s22], s20  }
0xa6: {  	s6 =	ssub.s32 $0x0, s20;
	[sflag:s22] =	ssyncset.done $0x0  }
0xa7: {  	[sflag:s22] =	ssyncadd.s32 s6;
	_ =	sdelay $0x1  }
0xa8: {  	s23 =	simm.s32 $0x1B8B  }
0xa9: {  	_ =	swait.ge [sflag:s23], $0x1  }
0xaa: {  	[sflag:s23] =	ssyncset.done $0x0  }
0xab: {  	s25 =	simm.s32 $0x1B8E;
	s24 =	sld [smem:$0x3FFE];
	[sflag:s23] =	ssyncadd.s32 $0xFFFFFFFF  }
0xac: {  	s26 =	simm.s32 $execute0_lowered;
	[smem:$0x3FD2] =	sst s25  }
0xad: {  	s7 =	sshll.u32 s26, $0x1;
	_ =	strace $0x80000046;
	[dreg:$0x1] =	wrdreg $0xFFFFFFFF  }
0xae: {  	s28 =	simm.s32 $_size_execute0_lowered;
	s5 =	sadd.s32 s5, s7;
	[dreg:$0x0] =	wrdreg $0x0  }
0xaf: {  	s7 =	sshll.u32 s28, $0x1;
	[dreg:$0x2] =	wrdreg s5  }
0xb0: {  	[dreg:$0x3] =	wrdreg s7  }
0xb1: {  	[dreg:$0x4] =	wrdreg $0xC0  }
0xb2: {  	_ =	task [dreg:s9], $0x5FFFF  }
0xb3: {  	[dreg:$0x1] =	wrdreg $0xFFFFFFFF  }
0xb4: {  	[dreg:$0x0] =	wrdreg $0x60  }
0xb5: {  	[dreg:$0x2] =	wrdreg s24  }
0xb6: {  	[dreg:$0x3] =	wrdreg s15  }
0xb7: {  	[dreg:$0x4] =	wrdreg s4  }
0xb8: {  	[dreg:$0x5] =	wrdreg s16  }
0xb9: {  	[dreg:$0x6] =	wrdreg $0x9  }
0xba: {  	_ =	task.clear_ibuf [dreg:s9], $0x7FFFF;
	_ =	strace $0x90000046  }
0xbb: {  	s29 =	simm.s32 $0x9;
	_ =	strace $0x80000048  }
0xbc: {  	_ =	swait.ge [sflag:s29], $0x1  }
0xbd: {  	[sflag:s29] =	ssyncadd.s32 $0xFFFFFFFF  }
0xbe: {  	_ =	strace $0x90000048  }
0xbf: {  	_ =	sfence  }
0xc0: {  	s30 =	sld [smem:$0x0];
	_ =	sdelay $0x2  }
0xc1: {  	s31 =	sshll.u32 s1, $0xD;
	s1 =	sshrl.u32 s1, $0x2  }
0xc2: {  	s3 =	sand.u32 $0x4000, s31;
	s1 =	sadd.s32 s1, s30  }
0xc3: {  	s0 =	sor.u32 s3, s0;
	s1 =	sshll.u32 s1, $0x11  }
0xc4: {  	s0 =	sor.u32 s1, s0  }
0xc5: {  	s0 =	sadd.s32 $0x8F2B, s0  }
0xc6: {  	[sflag:s0] =	ssyncadd.remote.s32 $0x1  }
0xc7: {  	_ =	sfence.sel $0xFFFF  }
0xc8: {  	[dreg:$0x0] =	wrdreg $0xFFFFFFFF;
	(pc) =	sbr.abs _section_cstart, $3  }
0xc9: {  	[dreg:$0x1] =	wrdreg $0xFFFFFFFF  }
0xca: {  	_ =	task.clear_ibuf [dreg:s9], $0x2FFFF;
	_ =	strace $0x9FFFFFFF  }
0xcb: {  	(tm) =	ssettm $0x7FFFFFFF  }
tec
execute0_lowered:
.L_overlay_start_1:
0x0: {  	(tag) =	ssettag $0x1  }
0x1: {  	s0 =	rddreg [dreg:$0x0]  }
0x2: {  	s1 =	rddreg [dreg:$0x1]  }
0x3: {  	s2 =	rddreg [dreg:$0x2]  }
0x4: {  	s3 =	srdreg.scid;
	s6 =	stileid.u32  }
0x5: {  	s28 =	simm.s32 $0x1;
	s29 =	simm.s32 $0x13200;
	s30 =	simm.s32 $0x2  }
0x6: {  	s31 =	simm.s32 $0x3;
	s4 =	sand.u32 $0x1, s3;
	s3 =	simm.s32 $0x0  }
0x7: {  	s13 =	sadd.s32 $0x101600, s0;
	s0 =	sadd.s32 $0x1600, s0;
	s5 =	sshll.u32 s4, $0x4  }
0x8: {  	[smem:$0x7FF] =	sst s3;
	s4 =	ssub.s32 $0x2, s4;
	s5 =	sor.u32 s6, s5  }
0x9: {  	_ =	strace $0x80000047;
	s7 =	sshrl.u32 s4, $0x1;
	s6 =	sshll.u32 s5, $0xB  }
0xa: {  	s8 =	smul.u32 $0x3300, s5;
	s4 =	ssub.s32 s4, s7;
	s5 =	sshll.u32 s5, $0x8  }
0xb: {  	s9 =	sor.u32 $0x200, s6;
	s14 =	sor.u32 $0x400, s6;
	s20 =	sadd.s32 s1, s5  }
0xc: {  	s5 =	sadd.s32 s2, s5;
	s23 =	sor.u32 $0x600, s6;
	s10 =	smul.u32 $0x33, s9  }
0xd: {  	s18 =	sadd.s32 s13, s8;
	[dreg:$0x7] =	wrdreg s20;
	s21 =	smul.u32 $0x33, s14  }
0xe: {  	[dreg:$0x8] =	wrdreg s5;
	s22 =	sadd.s32 s0, s8;
	s11 =	sshrl.u32 s9, $0x3  }
0xf: {  	s15 =	smul.u32 $0x33, s23;
	s26 =	sshrl.u32 s14, $0x3;
	s5 =	sshrl.u32 s23, $0x3  }
0x10: {  	s20 =	smax.u32 s4, $0x1;
	s23 =	simm.s32 $0x6600;
	[dreg:$0x5] =	wrdreg s18  }
0x11: {  	[dreg:$0x9] =	wrdreg s22;
	s14 =	sadd.s32 s1, s26;
	s17 =	sadd.s32 s1, s5  }
0x12: {  	s18 =	sadd.s32 s2, s5;
	s22 =	simm.s32 $0x5;
	s12 =	sshrl.u32 s10, $0x3  }
0x13: {  	s24 =	sshrl.u32 s21, $0x3;
	s10 =	sadd.s32 s1, s11;
	s11 =	sadd.s32 s2, s11  }
0x14: {  	s19 =	sadd.s32 s13, s12;
	s25 =	sadd.s32 s13, s24;
	s12 =	sadd.s32 s0, s12  }
0x15: {  	v0 =	vlaneseq.u32;
	v1 =	vimm.f32 $0.0e+00;
	s16 =	sadd.s32 s0, s24;
	s24 =	simm.s32 $0x19800;
	[dreg:$0x6] =	wrdreg s19  }
0x16: {  	v2 =	vor.u32 $0x10, v0;
	v3 =	vor.u32 $0x20, v0;
	v4 =	vmul.u32 $0x33, v0;
	[dreg:$0xa] =	wrdreg s25;
	s19 =	sshrl.u32 s15, $0x3;
	s15 =	sadd.s32 s2, s26  }
0x17: {  	v5 =	vor.u32 $0x30, v0;
	v6 =	vor.u32 $0x40, v0;
	v7 =	vor.u32 $0x50, v0;
	s25 =	simm.s32 $0x19A00;
	s26 =	simm.s32 $0xCC00;
	s2 =	simm.s32 $0x0  }
0x18: {  	v8 =	vor.u32 $0x60, v0;
	v9 =	vor.u32 $0x70, v0;
	v10 =	vadd.s32 $0x3, v4;
	s13 =	sadd.s32 s13, s19;
	s19 =	sadd.s32 s0, s19;
	s0 =	simm.s32 $0x4  }
.LBB2_1:
0x19: {  	s1 =	rddreg [dreg:$0x3];
	s4 =	simm.s32 $0x19C00  }
0x1a: {  	[tilespmem:s4], [sflag:$0x5] =	stream.linear.gather [hbm4b:s1+s3], $0x80, $0x38;
	[tilespmem:$0x19C80] =	vst v63  }
0x1b: {  	_ =	swait.ge [sflag:s22], $0x80  }
0x1c: {  	[sflag:s22] =	ssyncset.done $0x0  }
0x1d: {  	[sflag:s22] =	ssyncadd.s32 $0xFFFFFF80  }
0x1e: {  	v11 =	vld [tilespmem:$0x19C00]  }
0x1f: {  	s6 =	rddreg [dreg:$0x5];
	v12 =	vld [tilespmem:$0x19C10]  }
0x20: {  	v13 =	vld [tilespmem:$0x19C20];
	[tilespmem:s3], [sflag:$0x1] =	stream.linear.gather [hbm4b:s6+s3], $0x6600, $0x38  }
0x21: {  	s7 =	rddreg [dreg:$0x6]  }
0x22: {  	v14 =	vmov s3;
	[tilespmem:s23], [sflag:$0x2] =	stream.linear.gather [hbm4b:s7+s3], $0x6600, $0x38;
	[tilespmem:$0x19C80] =	vst v63  }
0x23: {  	v14 =	vshrl.u32 v14, $0x7;
	s8 =	rddreg [dreg:$0x7]  }
0x24: {  	v14 =	vshll.u32 v14, $0x7;
	[tilespmem:s24], [sflag:$0x5] =	stream.linear.gather [hbm4b:s8+s3], $0x200, $0x38;
	[tilespmem:$0x19C80] =	vst v63  }
0x25: {  	v15 =	vbroadcast v14, $0x0;
	_ =	swait.ge [sflag:s22], $0x200  }
0x26: {  	[sflag:s22] =	ssyncset.done $0x0  }
0x27: {  	v14 =	vor.u32 v5, v15;
	s9 =	rddreg [dreg:$0x8];
	[sflag:s22] =	ssyncadd.s32 $0xFFFFFE00  }
0x28: {  	v16 =	vor.u32 v2, v15;
	[tilespmem:s25], [sflag:$0x5] =	stream.linear.gather [hbm4b:s9+s3], $0x200, $0x38;
	[tilespmem:$0x19C80] =	vst v63  }
0x29: {  	s21 =	simm.s32 $0x80;
	v17 =	vor.u32 v9, v15;
	_ =	swait.ge [sflag:s22], $0x200  }
0x2a: {  	v18 =	vmov s21;
	v20 =	vor.u32 v8, v15;
	[sflag:s22] =	ssyncset.done $0x0  }
0x2b: {  	v18 =	vshrl.u32 v18, $0x7;
	v22 =	vor.u32 v7, v15;
	[sflag:s22] =	ssyncadd.s32 $0xFFFFFE00  }
0x2c: {  	v18 =	vshll.u32 v18, $0x7;
	v23 =	vor.u32 v6, v15;
	[tilespmem:v14+s26+$0x0] =	vst.idx.msk $0xffff, v1  }
0x2d: {  	v19 =	vbroadcast v18, $0x0;
	[tilespmem:v16+s26+$0x0] =	vst.idx.msk $0xffff, v1;
	v14 =	vor.u32 v0, v15;
	v15 =	vor.u32 v3, v15  }
0x2e: {  	[tilespmem:v17+s26+$0x0] =	vst.idx.msk $0xffff, v1  }
0x2f: {  	v18 =	vor.u32 v5, v19;
	v21 =	vor.u32 v2, v19;
	[tilespmem:v20+s26+$0x0] =	vst.idx.msk $0xffff, v1  }
0x30: {  	v16 =	vor.u32 v9, v19;
	v20 =	vor.u32 v0, v19;
	[tilespmem:v22+s26+$0x0] =	vst.idx.msk $0xffff, v1  }
0x31: {  	s1 =	simm.s32 $0x8;
	s4 =	simm.s32 $0x100;
	v22 =	vor.u32 v3, v19;
	v17 =	vor.u32 v6, v19;
	[tilespmem:v23+s26+$0x0] =	vst.idx.msk $0xffff, v1  }
.LBB2_2:
0x32: {  	v23 =	vmov s4;
	s1 =	sadd.s32 $0x8, s1;
	v24 =	vor.u32 v7, v19;
	v25 =	vor.u32 v8, v19;
	[tilespmem:v15+s26+$0x0] =	vst.idx.msk $0xffff, v1;
	v15 =	vmovc v22  }
0x33: {  	v19 =	vshrl.u32 v23, $0x7;
	p0 =	slt.u32 s1, $0x658;
	[tilespmem:v14+s26+$0x0] =	vst.idx.msk $0xffff, v1;
	v14 =	vmov v20  }
0x34: {  	v19 =	vshll.u32 v19, $0x7;
	[tilespmem:v18+s26+$0x0] =	vst.idx.msk $0xffff, v1  }
.Ltmp0:
0x35: {  	v19 =	vbroadcast v19, $0x0;
	[tilespmem:v21+s26+$0x0] =	vst.idx.msk $0xffff, v1;
	(pc) =	sbr.rel @p0 .LBB2_2-.Ltmp0, $4  }
0x36: {  	[tilespmem:v16+s26+$0x0] =	vst.idx.msk $0xffff, v1  }
0x37: {  	v18 =	vor.u32 v5, v19;
	v16 =	vor.u32 v9, v19;
	[tilespmem:v25+s26+$0x0] =	vst.idx.msk $0xffff, v1  }
0x38: {  	v20 =	vor.u32 v0, v19;
	v21 =	vor.u32 v2, v19;
	[tilespmem:v24+s26+$0x0] =	vst.idx.msk $0xffff, v1  }
0x39: {  	s4 =	sadd.s32 $0x80, s4;
	v22 =	vor.u32 v3, v19;
	[tilespmem:v17+s26+$0x0] =	vst.idx.msk $0xffff, v1;
	v17 =	vor.u32 v6, v19  }
0x3a: {  	_ =	sdelay $0x3  }
0x3b: {  	[tilespmem:v15+s26+$0x0] =	vst.idx.msk $0xffff, v1  }
0x3c: {  	[tilespmem:v14+s26+$0x0] =	vst.idx.msk $0xffff, v1  }
0x3d: {  	[tilespmem:v18+s26+$0x0] =	vst.idx.msk $0xffff, v1  }
0x3e: {  	v23 =	vor.u32 v8, v19;
	[tilespmem:v21+s26+$0x0] =	vst.idx.msk $0xffff, v1  }
0x3f: {  	v15 =	vor.u32 v7, v19;
	[tilespmem:v16+s26+$0x0] =	vst.idx.msk $0xffff, v1  }
0x40: {  	[tilespmem:v17+s26+$0x0] =	vst.idx.msk $0xffff, v1  }
0x41: {  	[tilespmem:v22+s26+$0x0] =	vst.idx.msk $0xffff, v1  }
0x42: {  	[tilespmem:v20+s26+$0x0] =	vst.idx.msk $0xffff, v1  }
0x43: {  	[tilespmem:v23+s26+$0x0] =	vst.idx.msk $0xffff, v1  }
0x44: {  	[tilespmem:v15+s26+$0x0] =	vst.idx.msk $0xffff, v1  }
0x45: {  	_ =	swait.ge [sflag:s28], $0x6600  }
0x46: {  	[sflag:s28] =	ssyncset.done $0x0  }
0x47: {  	s1 =	simm.s32 $0x0;
	s21 =	simm.s32 $0x0;
	[sflag:s28] =	ssyncadd.s32 $0xFFFF9A00  }
.LBB2_4:
0x48: {  	s4 =	sshll.u32 s21, $0x4  }
0x49: {  	v14 =	vor.u32 s4, v0;
	_ =	sdelay $0x4  }
0x4a: {  	v15 =	vld.idx.msk [tilespmem:v14+s24+$0x0], $0xffff  }
0x4b: {  	v14 =	vld.idx.msk [tilespmem:v14+s25+$0x0], $0xffff;
	_ =	sdelay $0x3  }
0x4c: {  	s5 =	simm.s32 $0x1;
	v15 =	vadd.f32 $1.000000000e+01, v15  }
0x4d: {  	v18 =	vmov s5;
	v14 =	vsub.f32 $1.000000000e+00, v14  }
0x4e: {  	v18 =	vcvt.s32.f32 v18;
	v16 =	vmul.f32 v15, v11  }
0x4f: {  	v17 =	vmul.f32 v14, v12;
	v15 =	vmul.f32 v14, v13;
	_ =	sdelay $0x1  }
0x50: {  	v16 =	vadd.f32 v17, v16;
	v17 =	vmul.f32 v18, v15;
	_ =	sdelay $0x1  }
0x51: {  	s8 =	simm.s32 $0x4;
	v17 =	vadd.f32 v17, v16  }
0x52: {  	s6 =	simm.s32 $0x2;
	s9 =	simm.s32 $0x5;
	v28 =	vmov s8  }
0x53: {  	v30 =	vmov s9;
	v14 =	vmov s6;
	v17 =	vmax.f32 v17, $0.0e+00  }
0x54: {  	v28 =	vcvt.s32.f32 v28;
	v14 =	vcvt.s32.f32 v14;
	v20 =	vmin.f32 v17, $5.000000000e+01  }
0x55: {  	v30 =	vcvt.s32.f32 v30;
	v18 =	vmov s4;
	v17 =	vtrunc.f32 v20  }
0x56: {  	v14 =	vmul.f32 v14, v15;
	v18 =	vmul.u32 $0x33, v18;
	v24 =	vcvt.f32.s32 v17  }
0x57: {  	v28 =	vmul.f32 v28, v15;
	v30 =	vmul.f32 v30, v15  }
0x58: {  	v19 =	vadd.f32 v14, v16;
	v14 =	vadd.s32 v4, v18;
	v25 =	vcvt.s32.f32 v24  }
0x59: {  	v28 =	vadd.f32 v28, v16;
	v30 =	vadd.f32 v30, v16;
	v22 =	vadd.s32 s5, v14  }
0x5a: {  	v19 =	vmax.f32 v19, $0.0e+00;
	v20 =	vsub.f32 v20, v25;
	v25 =	vmov s1  }
0x5b: {  	v21 =	vadd.s32 s6, v14;
	v19 =	vmin.f32 v19, $5.000000000e+01;
	v25 =	vcvt.s32.f32 v25  }
0x5c: {  	v31 =	vadd.s32 s9, v14;
	v32 =	vadd.s32 s8, v14;
	v23 =	vtrunc.f32 v19  }
0x5d: {  	v17 =	vadd.s32 v10, v18;
	v23 =	vcvt.f32.s32 v23;
	v25 =	vmul.f32 v25, v15  }
0x5e: {  	v18 =	vadd.s32 $0x1, v24;
	v22 =	vld.idx.msk [tilespmem:v22+s3+$0x0], $0xffff;
	v61 =	vadd.s32 v24, v14;
	v24 =	vmax.f32 v28, $0.0e+00  }
0x5f: {  	v28 =	vmax.f32 v30, $0.0e+00;
	v26 =	vcvt.s32.f32 v23;
	v25 =	vadd.f32 v25, v16  }
0x60: {  	v21 =	vld.idx.msk [tilespmem:v21+s3+$0x0], $0xffff;
	v27 =	vadd.s32 $0x1, v23;
	vm0 =	vlt.s32 v18, $0x32;
	v23 =	vadd.s32 v23, v14  }
0x61: {  	v19 =	vsub.f32 v19, v26;
	v26 =	vsub.f32 $1.000000000e+00, v20;
	v25 =	vmax.f32 v25, $0.0e+00  }
0x62: {  	v30 =	vmin.f32 v24, $5.000000000e+01;
	vm1 =	vlt.s32 v27, $0x32;
	v25 =	vmin.f32 v25, $5.000000000e+01  }
0x63: {  	v29 =	vnsel vm1, $0x32, v27;
	v26 =	vmul.f32 v22, v26;
	v34 =	vtrunc.f32 v25  }
0x64: {  	v27 =	vsub.f32 $1.000000000e+00, v19;
	v22 =	vmul.f32 v22, v20;
	v20 =	vcvt.f32.s32 v34  }
0x65: {  	v35 =	vmin.f32 v28, $5.000000000e+01;
	v18 =	vnsel vm0, $0x32, v18;
	v19 =	vmul.f32 v21, v19  }
0x66: {  	v33 =	vadd.s32 v14, v18;
	v27 =	vmul.f32 v21, v27;
	v24 =	vcvt.s32.f32 v20  }
0x67: {  	v21 =	vadd.s32 $0x1, v20;
	v36 =	vadd.s32 v20, v14;
	v20 =	vtrunc.f32 v30  }
0x68: {  	v37 =	vld.idx.msk [tilespmem:v14+s3+$0x0], $0xffff;
	v18 =	vadd.s32 s1, v17;
	vm0 =	vlt.s32 v21, $0x32;
	v20 =	vcvt.f32.s32 v20  }
0x69: {  	v38 =	vsub.f32 v25, v24;
	v24 =	vtrunc.f32 v35;
	v21 =	vnsel vm0, $0x32, v21  }
0x6a: {  	[tilespmem:v23+s26+$0x0] =	vst.idx.add.f32.msk $0xffff, v27;
	v28 =	vcvt.f32.s32 v24;
	v27 =	vadd.s32 v14, v21;
	v24 =	vadd.s32 v14, v29  }
0x6b: {  	[tilespmem:v61+s26+$0x0] =	vst.idx.add.f32.msk $0xffff, v26;
	v23 =	vcvt.s32.f32 v20;
	v29 =	vadd.s32 $0x1, v20;
	v26 =	vsub.f32 $1.000000000e+00, v38  }
0x6c: {  	s4 =	simm.s32 $0x3;
	[tilespmem:v33+s26+$0x0] =	vst.idx.add.f32.msk $0xffff, v22;
	vm0 =	vlt.s32 v29, $0x32;
	v22 =	vcvt.s32.f32 v28;
	v62 =	vadd.s32 $0x1, v28  }
0x6d: {  	v21 =	vld.idx.msk [tilespmem:v31+s3+$0x0], $0xffff;
	v25 =	vsub.f32 v30, v23;
	v30 =	vmov s4;
	v63 =	vmul.f32 v37, v26  }
0x6e: {  	v31 =	vmul.f32 v37, v38;
	vm1 =	vlt.s32 v62, $0x32;
	v26 =	vld.idx.msk [tilespmem:v32+s3+$0x0], $0xffff;
	v32 =	vcvt.s32.f32 v30  }
0x6f: {  	s5 =	simm.s32 $0x6;
	v23 =	vsub.f32 v35, v22;
	v30 =	vsub.f32 $1.000000000e+00, v25;
	v22 =	vnsel vm1, $0x32, v62;
	[tilespmem:v36+s26+$0x0] =	vst.idx.add.f32.msk $0xffff, v63  }
.LBB2_5:
0x70: {  	s7 =	sadd.s32 $0x1, s5  }
0x71: {  	s8 =	sadd.s32 $0x2, s5;
	v29 =	vnsel vm0, $0x32, v29;
	v28 =	vadd.s32 v28, v14;
	v33 =	vsub.f32 $1.000000000e+00, v23;
	[tilespmem:v27+s26+$0x0] =	vst.idx.add.f32.msk $0xffff, v31;
	s9 =	smov.u32 s5;
	s6 =	sadd.s32 $0x3, s5  }
0x72: {  	p0 =	slt.u32 s5, $0x30;
	v27 =	vmov s7;
	v31 =	vmov s8;
	v32 =	vmul.f32 v32, v15;
	[tilespmem:v24+s26+$0x0] =	vst.idx.add.f32.msk $0xffff, v19  }
0x73: {  	v19 =	vcvt.s32.f32 v27;
	v24 =	vcvt.s32.f32 v31;
	v31 =	vadd.s32 s8, v14  }
0x74: {  	v30 =	vmul.f32 v26, v30;
	v27 =	vadd.f32 v32, v16;
	v32 =	vmul.f32 v21, v33  }
0x75: {  	v33 =	vadd.s32 s7, v14;
	v19 =	vmul.f32 v19, v15;
	v24 =	vmul.f32 v24, v15  }
0x76: {  	v29 =	vadd.s32 v14, v29;
	v25 =	vmul.f32 v26, v25;
	v27 =	vmax.f32 v27, $0.0e+00;
	[tilespmem:v28+s26+$0x0] =	vst.idx.add.f32.msk $0xffff, v32  }
0x77: {  	v19 =	vadd.f32 v19, v16;
	v24 =	vadd.f32 v24, v16;
	v26 =	vmin.f32 v27, $5.000000000e+01  }
0x78: {  	v28 =	vadd.s32 s4, v17;
	v32 =	vadd.s32 v20, v14;
	s4 =	smov.u32 s9;
	v27 =	vtrunc.f32 v26  }
0x79: {  	v19 =	vmax.f32 v19, $0.0e+00;
	v20 =	vmax.f32 v24, $0.0e+00;
	v24 =	vcvt.f32.s32 v27  }
0x7a: {  	v34 =	vmin.f32 v19, $5.000000000e+01;
	v35 =	vmin.f32 v20, $5.000000000e+01;
	v19 =	vmul.f32 v21, v23  }
0x7b: {  	v21 =	vcvt.s32.f32 v24;
	v23 =	vadd.s32 $0x1, v24;
	v36 =	vld.idx.msk [tilespmem:v18+s3+$0x0], $0xffff;
	v37 =	vadd.s32 v24, v14;
	v18 =	vmovc v28  }
0x7c: {  	v20 =	vtrunc.f32 v34;
	v24 =	vtrunc.f32 v35;
	vm0 =	vlt.s32 v23, $0x32  }
0x7d: {  	v20 =	vcvt.f32.s32 v20;
	v38 =	vsub.f32 v26, v21;
	v21 =	vnsel vm0, $0x32, v23;
	[tilespmem:v32+s26+$0x0] =	vst.idx.add.f32.msk $0xffff, v30  }
0x7e: {  	v28 =	vcvt.f32.s32 v24;
	v24 =	vadd.s32 v14, v22;
	v27 =	vadd.s32 v14, v21;
	[tilespmem:v29+s26+$0x0] =	vst.idx.add.f32.msk $0xffff, v25  }
.Ltmp1:
0x7f: {  	v22 =	vcvt.s32.f32 v20;
	v29 =	vadd.s32 $0x1, v20;
	v23 =	vsub.f32 $1.000000000e+00, v38;
	(pc) =	sbr.rel @p0 .LBB2_5-.Ltmp1, $4  }
0x80: {  	v30 =	vcvt.s32.f32 v28;
	v39 =	vadd.s32 $0x1, v28;
	vm0 =	vlt.s32 v29, $0x32;
	v21 =	vld.idx.msk [tilespmem:v31+s3+$0x0], $0xffff  }
0x81: {  	vm1 =	vlt.s32 v39, $0x32;
	v25 =	vsub.f32 v34, v22;
	v26 =	vld.idx.msk [tilespmem:v33+s3+$0x0], $0xffff;
	v33 =	vmul.f32 v36, v23  }
0x82: {  	v22 =	vmov s4;
	v31 =	vmul.f32 v36, v38;
	v23 =	vsub.f32 v35, v30  }
0x83: {  	s5 =	smov.u32 s6;
	v32 =	vcvt.s32.f32 v22;
	v22 =	vnsel vm1, $0x32, v39;
	v30 =	vsub.f32 $1.000000000e+00, v25;
	[tilespmem:v37+s26+$0x0] =	vst.idx.add.f32.msk $0xffff, v33  }
0x84: {  	_ = 	snop  }
0x85: {  	v15 =	vmul.f32 v32, v15;
	_ =	sdelay $0x1  }
0x86: {  	v15 =	vadd.f32 v15, v16;
	_ =	sdelay $0x1  }
0x87: {  	v15 =	vmax.f32 v15, $0.0e+00  }
0x88: {  	v15 =	vmin.f32 v15, $5.000000000e+01  }
0x89: {  	v54 =	vtrunc.f32 v15  }
0x8a: {  	v16 =	vcvt.f32.s32 v54  }
0x8b: {  	v17 =	vnsel vm0, $0x32, v29  }
0x8c: {  	v28 =	vadd.s32 v28, v14;
	v56 =	vsub.f32 $1.000000000e+00, v23;
	v55 =	vcvt.s32.f32 v16  }
0x8d: {  	v20 =	vadd.s32 v20, v14;
	v18 =	vld.idx.msk [tilespmem:v18+s3+$0x0], $0xffff;
	v17 =	vadd.s32 v14, v17;
	v33 =	vadd.s32 $0x1, v16  }
0x8e: {  	v57 =	vmul.f32 v21, v56;
	vm15 =	vlt.s32 v33, $0x32;
	v15 =	vsub.f32 v15, v55  }
0x8f: {  	[tilespmem:v27+s26+$0x0] =	vst.idx.add.f32.msk $0xffff, v31;
	v59 =	vmul.f32 v26, v30;
	v16 =	vadd.s32 v16, v14;
	v58 =	vnsel vm15, $0x32, v33  }
0x90: {  	[tilespmem:v24+s26+$0x0] =	vst.idx.add.f32.msk $0xffff, v19;
	s21 =	sadd.s32 $0x1, s21;
	v60 =	vadd.s32 v14, v58;
	v14 =	vadd.s32 v14, v22;
	v61 =	vsub.f32 $1.000000000e+00, v15  }
0x91: {  	p0 =	sne.s32 s21, $0x20;
	v25 =	vmul.f32 v26, v25;
	[tilespmem:v28+s26+$0x0] =	vst.idx.add.f32.msk $0xffff, v57  }
.Ltmp2:
0x92: {  	[tilespmem:v20+s26+$0x0] =	vst.idx.add.f32.msk $0xffff, v59;
	v62 =	vmul.f32 v18, v61;
	(pc) =	sbr.rel @p0 .LBB2_4-.Ltmp2, $4  }
0x93: {  	v63 =	vmul.f32 v21, v23;
	[tilespmem:v17+s26+$0x0] =	vst.idx.add.f32.msk $0xffff, v25  }
0x94: {  	v15 =	vmul.f32 v18, v15;
	[tilespmem:v16+s26+$0x0] =	vst.idx.add.f32.msk $0xffff, v62  }
0x95: {  	[tilespmem:v14+s26+$0x0] =	vst.idx.add.f32.msk $0xffff, v63  }
0x96: {  	[tilespmem:v60+s26+$0x0] =	vst.idx.add.f32.msk $0xffff, v15  }
0x97: {  	s1 =	simm.s32 $0x0;
	s4 =	rddreg [dreg:$0x9]  }
0x98: {  	[hbm4b:s4+s1] =	stream.linear.scatter [tilespmem:s26], [sflag:$0x3], $0x6600, $0x38;
	[tilespmem:$0x19C80] =	vst v63  }
0x99: {  	s9 =	rddreg [dreg:$0xa]  }
0x9a: {  	v14 =	vmov s1;
	[tilespmem:s1], [sflag:$0x1] =	stream.linear.gather [hbm4b:s9+s1], $0x6600, $0x38;
	[tilespmem:$0x19C80] =	vst v63  }
0x9b: {  	v14 =	vshrl.u32 v14, $0x7  }
0x9c: {  	v14 =	vshll.u32 v14, $0x7;
	[tilespmem:s24], [sflag:$0x5] =	stream.linear.gather [hbm4b:s10+s1], $0x200, $0x38;
	[tilespmem:$0x19C80] =	vst v63  }
0x9d: {  	v15 =	vbroadcast v14, $0x0;
	_ =	swait.ge [sflag:s22], $0x200  }
0x9e: {  	[sflag:s22] =	ssyncset.done $0x0  }
0x9f: {  	v14 =	vor.u32 v5, v15;
	[sflag:s22] =	ssyncadd.s32 $0xFFFFFE00  }
0xa0: {  	v16 =	vor.u32 v2, v15;
	[tilespmem:s25], [sflag:$0x5] =	stream.linear.gather [hbm4b:s11+s1], $0x200, $0x38;
	[tilespmem:$0x19C80] =	vst v63  }
0xa1: {  	s21 =	simm.s32 $0x80;
	v17 =	vor.u32 v9, v15;
	_ =	swait.ge [sflag:s22], $0x200  }
0xa2: {  	v18 =	vmov s21;
	v20 =	vor.u32 v8, v15;
	[sflag:s22] =	ssyncset.done $0x0  }
0xa3: {  	v18 =	vshrl.u32 v18, $0x7;
	v22 =	vor.u32 v7, v15;
	[sflag:s22] =	ssyncadd.s32 $0xFFFFFE00  }
0xa4: {  	v18 =	vshll.u32 v18, $0x7;
	v23 =	vor.u32 v6, v15;
	[tilespmem:v14+s29+$0x0] =	vst.idx.msk $0xffff, v1  }
0xa5: {  	v19 =	vbroadcast v18, $0x0;
	[tilespmem:v16+s29+$0x0] =	vst.idx.msk $0xffff, v1;
	v14 =	vor.u32 v0, v15;
	v15 =	vor.u32 v3, v15  }
0xa6: {  	[tilespmem:v17+s29+$0x0] =	vst.idx.msk $0xffff, v1  }
0xa7: {  	v18 =	vor.u32 v5, v19;
	v21 =	vor.u32 v2, v19;
	[tilespmem:v20+s29+$0x0] =	vst.idx.msk $0xffff, v1  }
0xa8: {  	v16 =	vor.u32 v9, v19;
	v20 =	vor.u32 v0, v19;
	[tilespmem:v22+s29+$0x0] =	vst.idx.msk $0xffff, v1  }
0xa9: {  	s4 =	simm.s32 $0x100;
	s1 =	simm.s32 $0x8;
	v22 =	vor.u32 v3, v19;
	v17 =	vor.u32 v6, v19;
	[tilespmem:v23+s29+$0x0] =	vst.idx.msk $0xffff, v1  }
.LBB2_8:
0xaa: {  	v23 =	vmov s4;
	s1 =	sadd.s32 $0x8, s1;
	v24 =	vor.u32 v7, v19;
	v25 =	vor.u32 v8, v19;
	[tilespmem:v15+s29+$0x0] =	vst.idx.msk $0xffff, v1;
	v15 =	vmovc v22  }
0xab: {  	v19 =	vshrl.u32 v23, $0x7;
	p0 =	slt.u32 s1, $0x658;
	[tilespmem:v14+s29+$0x0] =	vst.idx.msk $0xffff, v1;
	v14 =	vmov v20  }
0xac: {  	v19 =	vshll.u32 v19, $0x7;
	[tilespmem:v18+s29+$0x0] =	vst.idx.msk $0xffff, v1  }
.Ltmp3:
0xad: {  	v19 =	vbroadcast v19, $0x0;
	[tilespmem:v21+s29+$0x0] =	vst.idx.msk $0xffff, v1;
	(pc) =	sbr.rel @p0 .LBB2_8-.Ltmp3, $4  }
0xae: {  	[tilespmem:v16+s29+$0x0] =	vst.idx.msk $0xffff, v1  }
0xaf: {  	v18 =	vor.u32 v5, v19;
	v16 =	vor.u32 v9, v19;
	[tilespmem:v25+s29+$0x0] =	vst.idx.msk $0xffff, v1  }
0xb0: {  	v20 =	vor.u32 v0, v19;
	v21 =	vor.u32 v2, v19;
	[tilespmem:v24+s29+$0x0] =	vst.idx.msk $0xffff, v1  }
0xb1: {  	s4 =	sadd.s32 $0x80, s4;
	v22 =	vor.u32 v3, v19;
	[tilespmem:v17+s29+$0x0] =	vst.idx.msk $0xffff, v1;
	v17 =	vor.u32 v6, v19  }
0xb2: {  	_ =	sdelay $0x3  }
0xb3: {  	[tilespmem:v15+s29+$0x0] =	vst.idx.msk $0xffff, v1  }
0xb4: {  	[tilespmem:v14+s29+$0x0] =	vst.idx.msk $0xffff, v1  }
0xb5: {  	[tilespmem:v18+s29+$0x0] =	vst.idx.msk $0xffff, v1  }
0xb6: {  	v23 =	vor.u32 v8, v19;
	[tilespmem:v21+s29+$0x0] =	vst.idx.msk $0xffff, v1  }
0xb7: {  	v15 =	vor.u32 v7, v19;
	[tilespmem:v16+s29+$0x0] =	vst.idx.msk $0xffff, v1  }
0xb8: {  	[tilespmem:v17+s29+$0x0] =	vst.idx.msk $0xffff, v1  }
0xb9: {  	[tilespmem:v22+s29+$0x0] =	vst.idx.msk $0xffff, v1  }
0xba: {  	[tilespmem:v20+s29+$0x0] =	vst.idx.msk $0xffff, v1  }
0xbb: {  	[tilespmem:v23+s29+$0x0] =	vst.idx.msk $0xffff, v1  }
0xbc: {  	[tilespmem:v15+s29+$0x0] =	vst.idx.msk $0xffff, v1  }
0xbd: {  	_ =	swait.ge [sflag:s30], $0x6600  }
0xbe: {  	[sflag:s30] =	ssyncset.done $0x0  }
0xbf: {  	s1 =	simm.s32 $0x0;
	s21 =	simm.s32 $0x0;
	[sflag:s30] =	ssyncadd.s32 $0xFFFF9A00  }
.LBB2_10:
0xc0: {  	s4 =	sshll.u32 s21, $0x4  }
0xc1: {  	v14 =	vor.u32 s4, v0;
	_ =	sdelay $0x4  }
0xc2: {  	v15 =	vld.idx.msk [tilespmem:v14+s24+$0x0], $0xffff  }
0xc3: {  	v14 =	vld.idx.msk [tilespmem:v14+s25+$0x0], $0xffff;
	_ =	sdelay $0x3  }
0xc4: {  	s5 =	simm.s32 $0x1;
	v15 =	vadd.f32 $1.000000000e+01, v15  }
0xc5: {  	v18 =	vmov s5;
	v14 =	vsub.f32 $1.000000000e+00, v14  }
0xc6: {  	v18 =	vcvt.s32.f32 v18;
	v16 =	vmul.f32 v15, v11  }
0xc7: {  	v17 =	vmul.f32 v14, v12;
	v15 =	vmul.f32 v14, v13;
	_ =	sdelay $0x1  }
0xc8: {  	v16 =	vadd.f32 v17, v16;
	v17 =	vmul.f32 v18, v15;
	_ =	sdelay $0x1  }
0xc9: {  	s8 =	simm.s32 $0x4;
	v17 =	vadd.f32 v17, v16  }
0xca: {  	s6 =	simm.s32 $0x2;
	s9 =	simm.s32 $0x5;
	v28 =	vmov s8  }
0xcb: {  	v30 =	vmov s9;
	v14 =	vmov s6;
	v17 =	vmax.f32 v17, $0.0e+00  }
0xcc: {  	v28 =	vcvt.s32.f32 v28;
	v14 =	vcvt.s32.f32 v14;
	v20 =	vmin.f32 v17, $5.000000000e+01  }
0xcd: {  	v30 =	vcvt.s32.f32 v30;
	v18 =	vmov s4;
	v17 =	vtrunc.f32 v20  }
0xce: {  	v14 =	vmul.f32 v14, v15;
	v18 =	vmul.u32 $0x33, v18;
	v24 =	vcvt.f32.s32 v17  }
0xcf: {  	v28 =	vmul.f32 v28, v15;
	v30 =	vmul.f32 v30, v15  }
0xd0: {  	v19 =	vadd.f32 v14, v16;
	v14 =	vadd.s32 v4, v18;
	v25 =	vcvt.s32.f32 v24  }
0xd1: {  	v28 =	vadd.f32 v28, v16;
	v30 =	vadd.f32 v30, v16;
	v22 =	vadd.s32 s5, v14  }
0xd2: {  	v19 =	vmax.f32 v19, $0.0e+00;
	v20 =	vsub.f32 v20, v25;
	v25 =	vmov s1  }
0xd3: {  	v21 =	vadd.s32 s6, v14;
	v19 =	vmin.f32 v19, $5.000000000e+01;
	v25 =	vcvt.s32.f32 v25  }
0xd4: {  	v31 =	vadd.s32 s9, v14;
	v32 =	vadd.s32 s8, v14;
	v23 =	vtrunc.f32 v19  }
0xd5: {  	v17 =	vadd.s32 v10, v18;
	v23 =	vcvt.f32.s32 v23;
	v25 =	vmul.f32 v25, v15  }
0xd6: {  	v18 =	vadd.s32 $0x1, v24;
	v22 =	vld.idx.msk [tilespmem:v22+s23+$0x0], $0xffff;
	v61 =	vadd.s32 v24, v14;
	v24 =	vmax.f32 v28, $0.0e+00  }
0xd7: {  	v28 =	vmax.f32 v30, $0.0e+00;
	v26 =	vcvt.s32.f32 v23;
	v25 =	vadd.f32 v25, v16  }
0xd8: {  	v21 =	vld.idx.msk [tilespmem:v21+s23+$0x0], $0xffff;
	v27 =	vadd.s32 $0x1, v23;
	vm0 =	vlt.s32 v18, $0x32;
	v23 =	vadd.s32 v23, v14  }
0xd9: {  	v19 =	vsub.f32 v19, v26;
	v26 =	vsub.f32 $1.000000000e+00, v20;
	v25 =	vmax.f32 v25, $0.0e+00  }
0xda: {  	v30 =	vmin.f32 v24, $5.000000000e+01;
	vm1 =	vlt.s32 v27, $0x32;
	v25 =	vmin.f32 v25, $5.000000000e+01  }
0xdb: {  	v29 =	vnsel vm1, $0x32, v27;
	v26 =	vmul.f32 v22, v26;
	v34 =	vtrunc.f32 v25  }
0xdc: {  	v27 =	vsub.f32 $1.000000000e+00, v19;
	v22 =	vmul.f32 v22, v20;
	v20 =	vcvt.f32.s32 v34  }
0xdd: {  	v35 =	vmin.f32 v28, $5.000000000e+01;
	v18 =	vnsel vm0, $0x32, v18;
	v19 =	vmul.f32 v21, v19  }
0xde: {  	v33 =	vadd.s32 v14, v18;
	v27 =	vmul.f32 v21, v27;
	v24 =	vcvt.s32.f32 v20  }
0xdf: {  	v21 =	vadd.s32 $0x1, v20;
	v36 =	vadd.s32 v20, v14;
	v20 =	vtrunc.f32 v30  }
0xe0: {  	v37 =	vld.idx.msk [tilespmem:v14+s23+$0x0], $0xffff;
	v18 =	vadd.s32 s1, v17;
	vm0 =	vlt.s32 v21, $0x32;
	v20 =	vcvt.f32.s32 v20  }
0xe1: {  	v38 =	vsub.f32 v25, v24;
	v24 =	vtrunc.f32 v35;
	v21 =	vnsel vm0, $0x32, v21  }
0xe2: {  	[tilespmem:v23+s29+$0x0] =	vst.idx.add.f32.msk $0xffff, v27;
	v28 =	vcvt.f32.s32 v24;
	v27 =	vadd.s32 v14, v21;
	v24 =	vadd.s32 v14, v29  }
0xe3: {  	[tilespmem:v61+s29+$0x0] =	vst.idx.add.f32.msk $0xffff, v26;
	v23 =	vcvt.s32.f32 v20;
	v29 =	vadd.s32 $0x1, v20;
	v26 =	vsub.f32 $1.000000000e+00, v38  }
0xe4: {  	s4 =	simm.s32 $0x3;
	[tilespmem:v33+s29+$0x0] =	vst.idx.add.f32.msk $0xffff, v22;
	vm0 =	vlt.s32 v29, $0x32;
	v22 =	vcvt.s32.f32 v28;
	v62 =	vadd.s32 $0x1, v28  }
0xe5: {  	v21 =	vld.idx.msk [tilespmem:v31+s23+$0x0], $0xffff;
	v25 =	vsub.f32 v30, v23;
	v30 =	vmov s4;
	v63 =	vmul.f32 v37, v26  }
0xe6: {  	v31 =	vmul.f32 v37, v38;
	vm1 =	vlt.s32 v62, $0x32;
	v26 =	vld.idx.msk [tilespmem:v32+s23+$0x0], $0xffff;
	v32 =	vcvt.s32.f32 v30  }
0xe7: {  	s6 =	simm.s32 $0x6;
	v23 =	vsub.f32 v35, v22;
	v30 =	vsub.f32 $1.000000000e+00, v25;
	v22 =	vnsel vm1, $0x32, v62;
	[tilespmem:v36+s29+$0x0] =	vst.idx.add.f32.msk $0xffff, v63  }
.LBB2_11:
0xe8: {  	s7 =	sadd.s32 $0x1, s6  }
0xe9: {  	s8 =	sadd.s32 $0x2, s6;
	v29 =	vnsel vm0, $0x32, v29;
	v28 =	vadd.s32 v28, v14;
	v33 =	vsub.f32 $1.000000000e+00, v23;
	[tilespmem:v27+s29+$0x0] =	vst.idx.add.f32.msk $0xffff, v31;
	s9 =	smov.u32 s6;
	s5 =	sadd.s32 $0x3, s6  }
0xea: {  	p0 =	slt.u32 s6, $0x30;
	v27 =	vmov s7;
	v31 =	vmov s8;
	v32 =	vmul.f32 v32, v15;
	[tilespmem:v24+s29+$0x0] =	vst.idx.add.f32.msk $0xffff, v19  }
0xeb: {  	v19 =	vcvt.s32.f32 v27;
	v24 =	vcvt.s32.f32 v31;
	v31 =	vadd.s32 s8, v14  }
0xec: {  	v30 =	vmul.f32 v26, v30;
	v27 =	vadd.f32 v32, v16;
	v32 =	vmul.f32 v21, v33  }
0xed: {  	v33 =	vadd.s32 s7, v14;
	v19 =	vmul.f32 v19, v15;
	v24 =	vmul.f32 v24, v15  }
0xee: {  	v29 =	vadd.s32 v14, v29;
	v25 =	vmul.f32 v26, v25;
	v27 =	vmax.f32 v27, $0.0e+00;
	[tilespmem:v28+s29+$0x0] =	vst.idx.add.f32.msk $0xffff, v32  }
0xef: {  	v19 =	vadd.f32 v19, v16;
	v24 =	vadd.f32 v24, v16;
	v26 =	vmin.f32 v27, $5.000000000e+01  }
0xf0: {  	v28 =	vadd.s32 s4, v17;
	v32 =	vadd.s32 v20, v14;
	s4 =	smov.u32 s9;
	v27 =	vtrunc.f32 v26  }
0xf1: {  	v19 =	vmax.f32 v19, $0.0e+00;
	v20 =	vmax.f32 v24, $0.0e+00;
	v24 =	vcvt.f32.s32 v27  }
0xf2: {  	v34 =	vmin.f32 v19, $5.000000000e+01;
	v35 =	vmin.f32 v20, $5.000000000e+01;
	v19 =	vmul.f32 v21, v23  }
0xf3: {  	v21 =	vcvt.s32.f32 v24;
	v23 =	vadd.s32 $0x1, v24;
	v36 =	vld.idx.msk [tilespmem:v18+s23+$0x0], $0xffff;
	v37 =	vadd.s32 v24, v14;
	v18 =	vmovc v28  }
0xf4: {  	v20 =	vtrunc.f32 v34;
	v24 =	vtrunc.f32 v35;
	vm0 =	vlt.s32 v23, $0x32  }
0xf5: {  	v20 =	vcvt.f32.s32 v20;
	v38 =	vsub.f32 v26, v21;
	v21 =	vnsel vm0, $0x32, v23;
	[tilespmem:v32+s29+$0x0] =	vst.idx.add.f32.msk $0xffff, v30  }
0xf6: {  	v28 =	vcvt.f32.s32 v24;
	v24 =	vadd.s32 v14, v22;
	v27 =	vadd.s32 v14, v21;
	[tilespmem:v29+s29+$0x0] =	vst.idx.add.f32.msk $0xffff, v25  }
.Ltmp4:
0xf7: {  	v22 =	vcvt.s32.f32 v20;
	v29 =	vadd.s32 $0x1, v20;
	v23 =	vsub.f32 $1.000000000e+00, v38;
	(pc) =	sbr.rel @p0 .LBB2_11-.Ltmp4, $4  }
0xf8: {  	v30 =	vcvt.s32.f32 v28;
	v39 =	vadd.s32 $0x1, v28;
	vm0 =	vlt.s32 v29, $0x32;
	v21 =	vld.idx.msk [tilespmem:v31+s23+$0x0], $0xffff  }
0xf9: {  	vm1 =	vlt.s32 v39, $0x32;
	v25 =	vsub.f32 v34, v22;
	v26 =	vld.idx.msk [tilespmem:v33+s23+$0x0], $0xffff;
	v33 =	vmul.f32 v36, v23  }
0xfa: {  	v22 =	vmov s4;
	v31 =	vmul.f32 v36, v38;
	v23 =	vsub.f32 v35, v30  }
0xfb: {  	s6 =	smov.u32 s5;
	v32 =	vcvt.s32.f32 v22;
	v22 =	vnsel vm1, $0x32, v39;
	v30 =	vsub.f32 $1.000000000e+00, v25;
	[tilespmem:v37+s29+$0x0] =	vst.idx.add.f32.msk $0xffff, v33  }
0xfc: {  	_ = 	snop  }
0xfd: {  	v15 =	vmul.f32 v32, v15;
	_ =	sdelay $0x1  }
0xfe: {  	v15 =	vadd.f32 v15, v16;
	_ =	sdelay $0x1  }
0xff: {  	v15 =	vmax.f32 v15, $0.0e+00  }
0x100: {  	v15 =	vmin.f32 v15, $5.000000000e+01  }
0x101: {  	v54 =	vtrunc.f32 v15  }
0x102: {  	v16 =	vcvt.f32.s32 v54  }
0x103: {  	v17 =	vnsel vm0, $0x32, v29  }
0x104: {  	v28 =	vadd.s32 v28, v14;
	v56 =	vsub.f32 $1.000000000e+00, v23;
	v55 =	vcvt.s32.f32 v16  }
0x105: {  	v20 =	vadd.s32 v20, v14;
	v18 =	vld.idx.msk [tilespmem:v18+s23+$0x0], $0xffff;
	v17 =	vadd.s32 v14, v17;
	v33 =	vadd.s32 $0x1, v16  }
0x106: {  	v57 =	vmul.f32 v21, v56;
	vm15 =	vlt.s32 v33, $0x32;
	v15 =	vsub.f32 v15, v55  }
0x107: {  	[tilespmem:v27+s29+$0x0] =	vst.idx.add.f32.msk $0xffff, v31;
	v59 =	vmul.f32 v26, v30;
	v16 =	vadd.s32 v16, v14;
	v58 =	vnsel vm15, $0x32, v33  }
0x108: {  	[tilespmem:v24+s29+$0x0] =	vst.idx.add.f32.msk $0xffff, v19;
	s21 =	sadd.s32 $0x1, s21;
	v60 =	vadd.s32 v14, v58;
	v14 =	vadd.s32 v14, v22;
	v61 =	vsub.f32 $1.000000000e+00, v15  }
0x109: {  	p0 =	sne.s32 s21, $0x20;
	v25 =	vmul.f32 v26, v25;
	[tilespmem:v28+s29+$0x0] =	vst.idx.add.f32.msk $0xffff, v57  }
.Ltmp5:
0x10a: {  	[tilespmem:v20+s29+$0x0] =	vst.idx.add.f32.msk $0xffff, v59;
	v62 =	vmul.f32 v18, v61;
	(pc) =	sbr.rel @p0 .LBB2_10-.Ltmp5, $4  }
0x10b: {  	v63 =	vmul.f32 v21, v23;
	[tilespmem:v17+s29+$0x0] =	vst.idx.add.f32.msk $0xffff, v25  }
0x10c: {  	v15 =	vmul.f32 v18, v15;
	[tilespmem:v16+s29+$0x0] =	vst.idx.add.f32.msk $0xffff, v62  }
0x10d: {  	[tilespmem:v14+s29+$0x0] =	vst.idx.add.f32.msk $0xffff, v63  }
0x10e: {  	[tilespmem:v60+s29+$0x0] =	vst.idx.add.f32.msk $0xffff, v15  }
0x10f: {  	s1 =	simm.s32 $0x0  }
0x110: {  	[hbm4b:s12+s1] =	stream.linear.scatter [tilespmem:s29], [sflag:$0x4], $0x6600, $0x38;
	[tilespmem:$0x19C80] =	vst v63  }
0x111: {  	_ = 	snop  }
0x112: {  	[tilespmem:s23], [sflag:$0x2] =	stream.linear.gather [hbm4b:s13+s1], $0x6600, $0x38;
	[tilespmem:$0x19C80] =	vst v63  }
0x113: {  	_ = 	snop  }
0x114: {  	[tilespmem:s24], [sflag:$0x5] =	stream.linear.gather [hbm4b:s14+s1], $0x200, $0x38;
	[tilespmem:$0x19C80] =	vst v63  }
0x115: {  	v14 =	vmov s1;
	_ =	swait.ge [sflag:s22], $0x200  }
0x116: {  	v14 =	vshrl.u32 v14, $0x7;
	[sflag:s22] =	ssyncset.done $0x0  }
0x117: {  	v14 =	vshll.u32 v14, $0x7;
	[sflag:s22] =	ssyncadd.s32 $0xFFFFFE00  }
0x118: {  	v15 =	vbroadcast v14, $0x0;
	[tilespmem:s25], [sflag:$0x5] =	stream.linear.gather [hbm4b:s15+s1], $0x200, $0x38;
	[tilespmem:$0x19C80] =	vst v63  }
0x119: {  	_ =	swait.ge [sflag:s22], $0x200  }
0x11a: {  	v14 =	vor.u32 v5, v15;
	[sflag:s22] =	ssyncset.done $0x0  }
0x11b: {  	v16 =	vor.u32 v2, v15;
	[sflag:s22] =	ssyncadd.s32 $0xFFFFFE00  }
0x11c: {  	s21 =	simm.s32 $0x80;
	v17 =	vor.u32 v9, v15;
	_ =	swait.ge [sflag:s31], $0x6600  }
0x11d: {  	v18 =	vmov s21;
	v20 =	vor.u32 v8, v15;
	[sflag:s31] =	ssyncset.done $0x0  }
0x11e: {  	v18 =	vshrl.u32 v18, $0x7;
	v22 =	vor.u32 v7, v15;
	[sflag:s31] =	ssyncadd.s32 $0xFFFF9A00  }
0x11f: {  	v18 =	vshll.u32 v18, $0x7;
	v23 =	vor.u32 v6, v15;
	[tilespmem:v14+s26+$0x0] =	vst.idx.msk $0xffff, v1  }
0x120: {  	v19 =	vbroadcast v18, $0x0;
	[tilespmem:v16+s26+$0x0] =	vst.idx.msk $0xffff, v1;
	v14 =	vor.u32 v0, v15;
	v15 =	vor.u32 v3, v15  }
0x121: {  	[tilespmem:v17+s26+$0x0] =	vst.idx.msk $0xffff, v1  }
0x122: {  	v18 =	vor.u32 v5, v19;
	v21 =	vor.u32 v2, v19;
	[tilespmem:v20+s26+$0x0] =	vst.idx.msk $0xffff, v1  }
0x123: {  	v16 =	vor.u32 v9, v19;
	v20 =	vor.u32 v0, v19;
	[tilespmem:v22+s26+$0x0] =	vst.idx.msk $0xffff, v1  }
0x124: {  	s4 =	simm.s32 $0x100;
	s1 =	simm.s32 $0x8;
	v22 =	vor.u32 v3, v19;
	v17 =	vor.u32 v6, v19;
	[tilespmem:v23+s26+$0x0] =	vst.idx.msk $0xffff, v1  }
.LBB2_14:
0x125: {  	v23 =	vmov s4;
	s1 =	sadd.s32 $0x8, s1;
	v24 =	vor.u32 v7, v19;
	v25 =	vor.u32 v8, v19;
	[tilespmem:v15+s26+$0x0] =	vst.idx.msk $0xffff, v1;
	v15 =	vmovc v22  }
0x126: {  	v19 =	vshrl.u32 v23, $0x7;
	p0 =	slt.u32 s1, $0x658;
	[tilespmem:v14+s26+$0x0] =	vst.idx.msk $0xffff, v1;
	v14 =	vmov v20  }
0x127: {  	v19 =	vshll.u32 v19, $0x7;
	[tilespmem:v18+s26+$0x0] =	vst.idx.msk $0xffff, v1  }
.Ltmp6:
0x128: {  	v19 =	vbroadcast v19, $0x0;
	[tilespmem:v21+s26+$0x0] =	vst.idx.msk $0xffff, v1;
	(pc) =	sbr.rel @p0 .LBB2_14-.Ltmp6, $4  }
0x129: {  	[tilespmem:v16+s26+$0x0] =	vst.idx.msk $0xffff, v1  }
0x12a: {  	v18 =	vor.u32 v5, v19;
	v16 =	vor.u32 v9, v19;
	[tilespmem:v25+s26+$0x0] =	vst.idx.msk $0xffff, v1  }
0x12b: {  	v20 =	vor.u32 v0, v19;
	v21 =	vor.u32 v2, v19;
	[tilespmem:v24+s26+$0x0] =	vst.idx.msk $0xffff, v1  }
0x12c: {  	s4 =	sadd.s32 $0x80, s4;
	v22 =	vor.u32 v3, v19;
	[tilespmem:v17+s26+$0x0] =	vst.idx.msk $0xffff, v1;
	v17 =	vor.u32 v6, v19  }
0x12d: {  	_ =	sdelay $0x3  }
0x12e: {  	[tilespmem:v15+s26+$0x0] =	vst.idx.msk $0xffff, v1  }
0x12f: {  	[tilespmem:v14+s26+$0x0] =	vst.idx.msk $0xffff, v1  }
0x130: {  	[tilespmem:v18+s26+$0x0] =	vst.idx.msk $0xffff, v1  }
0x131: {  	v23 =	vor.u32 v8, v19;
	[tilespmem:v21+s26+$0x0] =	vst.idx.msk $0xffff, v1  }
0x132: {  	v15 =	vor.u32 v7, v19;
	[tilespmem:v16+s26+$0x0] =	vst.idx.msk $0xffff, v1  }
0x133: {  	[tilespmem:v17+s26+$0x0] =	vst.idx.msk $0xffff, v1  }
0x134: {  	[tilespmem:v22+s26+$0x0] =	vst.idx.msk $0xffff, v1  }
0x135: {  	[tilespmem:v20+s26+$0x0] =	vst.idx.msk $0xffff, v1  }
0x136: {  	[tilespmem:v23+s26+$0x0] =	vst.idx.msk $0xffff, v1  }
0x137: {  	[tilespmem:v15+s26+$0x0] =	vst.idx.msk $0xffff, v1  }
0x138: {  	_ =	swait.ge [sflag:s28], $0x6600  }
0x139: {  	[sflag:s28] =	ssyncset.done $0x0  }
0x13a: {  	s1 =	simm.s32 $0x0;
	s21 =	simm.s32 $0x0;
	[sflag:s28] =	ssyncadd.s32 $0xFFFF9A00  }
.LBB2_16:
0x13b: {  	s4 =	sshll.u32 s21, $0x4  }
0x13c: {  	v14 =	vor.u32 s4, v0;
	_ =	sdelay $0x4  }
0x13d: {  	v15 =	vld.idx.msk [tilespmem:v14+s24+$0x0], $0xffff  }
0x13e: {  	v14 =	vld.idx.msk [tilespmem:v14+s25+$0x0], $0xffff;
	_ =	sdelay $0x3  }
0x13f: {  	s5 =	simm.s32 $0x1;
	v15 =	vadd.f32 $1.000000000e+01, v15  }
0x140: {  	v18 =	vmov s5;
	v14 =	vsub.f32 $1.000000000e+00, v14  }
0x141: {  	v18 =	vcvt.s32.f32 v18;
	v16 =	vmul.f32 v15, v11  }
0x142: {  	v17 =	vmul.f32 v14, v12;
	v15 =	vmul.f32 v14, v13;
	_ =	sdelay $0x1  }
0x143: {  	v16 =	vadd.f32 v17, v16;
	v17 =	vmul.f32 v18, v15;
	_ =	sdelay $0x1  }
0x144: {  	s8 =	simm.s32 $0x4;
	v17 =	vadd.f32 v17, v16  }
0x145: {  	s6 =	simm.s32 $0x2;
	s9 =	simm.s32 $0x5;
	v28 =	vmov s8  }
0x146: {  	v30 =	vmov s9;
	v14 =	vmov s6;
	v17 =	vmax.f32 v17, $0.0e+00  }
0x147: {  	v28 =	vcvt.s32.f32 v28;
	v14 =	vcvt.s32.f32 v14;
	v20 =	vmin.f32 v17, $5.000000000e+01  }
0x148: {  	v30 =	vcvt.s32.f32 v30;
	v18 =	vmov s4;
	v17 =	vtrunc.f32 v20  }
0x149: {  	v14 =	vmul.f32 v14, v15;
	v18 =	vmul.u32 $0x33, v18;
	v24 =	vcvt.f32.s32 v17  }
0x14a: {  	v28 =	vmul.f32 v28, v15;
	v30 =	vmul.f32 v30, v15  }
0x14b: {  	v19 =	vadd.f32 v14, v16;
	v14 =	vadd.s32 v4, v18;
	v25 =	vcvt.s32.f32 v24  }
0x14c: {  	v28 =	vadd.f32 v28, v16;
	v30 =	vadd.f32 v30, v16;
	v22 =	vadd.s32 s5, v14  }
0x14d: {  	v19 =	vmax.f32 v19, $0.0e+00;
	v20 =	vsub.f32 v20, v25;
	v25 =	vmov s1  }
0x14e: {  	v21 =	vadd.s32 s6, v14;
	v19 =	vmin.f32 v19, $5.000000000e+01;
	v25 =	vcvt.s32.f32 v25  }
0x14f: {  	v31 =	vadd.s32 s9, v14;
	v32 =	vadd.s32 s8, v14;
	v23 =	vtrunc.f32 v19  }
0x150: {  	v17 =	vadd.s32 v10, v18;
	v23 =	vcvt.f32.s32 v23;
	v25 =	vmul.f32 v25, v15  }
0x151: {  	v18 =	vadd.s32 $0x1, v24;
	v22 =	vld.idx.msk [tilespmem:v22+s3+$0x0], $0xffff;
	v61 =	vadd.s32 v24, v14;
	v24 =	vmax.f32 v28, $0.0e+00  }
0x152: {  	v28 =	vmax.f32 v30, $0.0e+00;
	v26 =	vcvt.s32.f32 v23;
	v25 =	vadd.f32 v25, v16  }
0x153: {  	v21 =	vld.idx.msk [tilespmem:v21+s3+$0x0], $0xffff;
	v27 =	vadd.s32 $0x1, v23;
	vm0 =	vlt.s32 v18, $0x32;
	v23 =	vadd.s32 v23, v14  }
0x154: {  	v19 =	vsub.f32 v19, v26;
	v26 =	vsub.f32 $1.000000000e+00, v20;
	v25 =	vmax.f32 v25, $0.0e+00  }
0x155: {  	v30 =	vmin.f32 v24, $5.000000000e+01;
	vm1 =	vlt.s32 v27, $0x32;
	v25 =	vmin.f32 v25, $5.000000000e+01  }
0x156: {  	v29 =	vnsel vm1, $0x32, v27;
	v26 =	vmul.f32 v22, v26;
	v34 =	vtrunc.f32 v25  }
0x157: {  	v27 =	vsub.f32 $1.000000000e+00, v19;
	v22 =	vmul.f32 v22, v20;
	v20 =	vcvt.f32.s32 v34  }
0x158: {  	v35 =	vmin.f32 v28, $5.000000000e+01;
	v18 =	vnsel vm0, $0x32, v18;
	v19 =	vmul.f32 v21, v19  }
0x159: {  	v33 =	vadd.s32 v14, v18;
	v27 =	vmul.f32 v21, v27;
	v24 =	vcvt.s32.f32 v20  }
0x15a: {  	v21 =	vadd.s32 $0x1, v20;
	v36 =	vadd.s32 v20, v14;
	v20 =	vtrunc.f32 v30  }
0x15b: {  	v37 =	vld.idx.msk [tilespmem:v14+s3+$0x0], $0xffff;
	v18 =	vadd.s32 s1, v17;
	vm0 =	vlt.s32 v21, $0x32;
	v20 =	vcvt.f32.s32 v20  }
0x15c: {  	v38 =	vsub.f32 v25, v24;
	v24 =	vtrunc.f32 v35;
	v21 =	vnsel vm0, $0x32, v21  }
0x15d: {  	[tilespmem:v23+s26+$0x0] =	vst.idx.add.f32.msk $0xffff, v27;
	v28 =	vcvt.f32.s32 v24;
	v27 =	vadd.s32 v14, v21;
	v24 =	vadd.s32 v14, v29  }
0x15e: {  	[tilespmem:v61+s26+$0x0] =	vst.idx.add.f32.msk $0xffff, v26;
	v23 =	vcvt.s32.f32 v20;
	v29 =	vadd.s32 $0x1, v20;
	v26 =	vsub.f32 $1.000000000e+00, v38  }
0x15f: {  	s4 =	simm.s32 $0x3;
	[tilespmem:v33+s26+$0x0] =	vst.idx.add.f32.msk $0xffff, v22;
	vm0 =	vlt.s32 v29, $0x32;
	v22 =	vcvt.s32.f32 v28;
	v62 =	vadd.s32 $0x1, v28  }
0x160: {  	v21 =	vld.idx.msk [tilespmem:v31+s3+$0x0], $0xffff;
	v25 =	vsub.f32 v30, v23;
	v30 =	vmov s4;
	v63 =	vmul.f32 v37, v26  }
0x161: {  	v31 =	vmul.f32 v37, v38;
	vm1 =	vlt.s32 v62, $0x32;
	v26 =	vld.idx.msk [tilespmem:v32+s3+$0x0], $0xffff;
	v32 =	vcvt.s32.f32 v30  }
0x162: {  	s6 =	simm.s32 $0x6;
	v23 =	vsub.f32 v35, v22;
	v30 =	vsub.f32 $1.000000000e+00, v25;
	v22 =	vnsel vm1, $0x32, v62;
	[tilespmem:v36+s26+$0x0] =	vst.idx.add.f32.msk $0xffff, v63  }
.LBB2_17:
0x163: {  	s7 =	sadd.s32 $0x1, s6  }
0x164: {  	s8 =	sadd.s32 $0x2, s6;
	v29 =	vnsel vm0, $0x32, v29;
	v28 =	vadd.s32 v28, v14;
	v33 =	vsub.f32 $1.000000000e+00, v23;
	[tilespmem:v27+s26+$0x0] =	vst.idx.add.f32.msk $0xffff, v31;
	s9 =	smov.u32 s6;
	s5 =	sadd.s32 $0x3, s6  }
0x165: {  	p0 =	slt.u32 s6, $0x30;
	v27 =	vmov s7;
	v31 =	vmov s8;
	v32 =	vmul.f32 v32, v15;
	[tilespmem:v24+s26+$0x0] =	vst.idx.add.f32.msk $0xffff, v19  }
0x166: {  	v19 =	vcvt.s32.f32 v27;
	v24 =	vcvt.s32.f32 v31;
	v31 =	vadd.s32 s8, v14  }
0x167: {  	v30 =	vmul.f32 v26, v30;
	v27 =	vadd.f32 v32, v16;
	v32 =	vmul.f32 v21, v33  }
0x168: {  	v33 =	vadd.s32 s7, v14;
	v19 =	vmul.f32 v19, v15;
	v24 =	vmul.f32 v24, v15  }
0x169: {  	v29 =	vadd.s32 v14, v29;
	v25 =	vmul.f32 v26, v25;
	v27 =	vmax.f32 v27, $0.0e+00;
	[tilespmem:v28+s26+$0x0] =	vst.idx.add.f32.msk $0xffff, v32  }
0x16a: {  	v19 =	vadd.f32 v19, v16;
	v24 =	vadd.f32 v24, v16;
	v26 =	vmin.f32 v27, $5.000000000e+01  }
0x16b: {  	v28 =	vadd.s32 s4, v17;
	v32 =	vadd.s32 v20, v14;
	s4 =	smov.u32 s9;
	v27 =	vtrunc.f32 v26  }
0x16c: {  	v19 =	vmax.f32 v19, $0.0e+00;
	v20 =	vmax.f32 v24, $0.0e+00;
	v24 =	vcvt.f32.s32 v27  }
0x16d: {  	v34 =	vmin.f32 v19, $5.000000000e+01;
	v35 =	vmin.f32 v20, $5.000000000e+01;
	v19 =	vmul.f32 v21, v23  }
0x16e: {  	v21 =	vcvt.s32.f32 v24;
	v23 =	vadd.s32 $0x1, v24;
	v36 =	vld.idx.msk [tilespmem:v18+s3+$0x0], $0xffff;
	v37 =	vadd.s32 v24, v14;
	v18 =	vmovc v28  }
0x16f: {  	v20 =	vtrunc.f32 v34;
	v24 =	vtrunc.f32 v35;
	vm0 =	vlt.s32 v23, $0x32  }
0x170: {  	v20 =	vcvt.f32.s32 v20;
	v38 =	vsub.f32 v26, v21;
	v21 =	vnsel vm0, $0x32, v23;
	[tilespmem:v32+s26+$0x0] =	vst.idx.add.f32.msk $0xffff, v30  }
0x171: {  	v28 =	vcvt.f32.s32 v24;
	v24 =	vadd.s32 v14, v22;
	v27 =	vadd.s32 v14, v21;
	[tilespmem:v29+s26+$0x0] =	vst.idx.add.f32.msk $0xffff, v25  }
.Ltmp7:
0x172: {  	v22 =	vcvt.s32.f32 v20;
	v29 =	vadd.s32 $0x1, v20;
	v23 =	vsub.f32 $1.000000000e+00, v38;
	(pc) =	sbr.rel @p0 .LBB2_17-.Ltmp7, $4  }
0x173: {  	v30 =	vcvt.s32.f32 v28;
	v39 =	vadd.s32 $0x1, v28;
	vm0 =	vlt.s32 v29, $0x32;
	v21 =	vld.idx.msk [tilespmem:v31+s3+$0x0], $0xffff  }
0x174: {  	vm1 =	vlt.s32 v39, $0x32;
	v25 =	vsub.f32 v34, v22;
	v26 =	vld.idx.msk [tilespmem:v33+s3+$0x0], $0xffff;
	v33 =	vmul.f32 v36, v23  }
0x175: {  	v22 =	vmov s4;
	v31 =	vmul.f32 v36, v38;
	v23 =	vsub.f32 v35, v30  }
0x176: {  	s6 =	smov.u32 s5;
	v32 =	vcvt.s32.f32 v22;
	v22 =	vnsel vm1, $0x32, v39;
	v30 =	vsub.f32 $1.000000000e+00, v25;
	[tilespmem:v37+s26+$0x0] =	vst.idx.add.f32.msk $0xffff, v33  }
0x177: {  	_ = 	snop  }
0x178: {  	v15 =	vmul.f32 v32, v15;
	_ =	sdelay $0x1  }
0x179: {  	v15 =	vadd.f32 v15, v16;
	_ =	sdelay $0x1  }
0x17a: {  	v15 =	vmax.f32 v15, $0.0e+00  }
0x17b: {  	v15 =	vmin.f32 v15, $5.000000000e+01  }
0x17c: {  	v54 =	vtrunc.f32 v15  }
0x17d: {  	v16 =	vcvt.f32.s32 v54  }
0x17e: {  	v17 =	vnsel vm0, $0x32, v29  }
0x17f: {  	v28 =	vadd.s32 v28, v14;
	v56 =	vsub.f32 $1.000000000e+00, v23;
	v55 =	vcvt.s32.f32 v16  }
0x180: {  	v20 =	vadd.s32 v20, v14;
	v18 =	vld.idx.msk [tilespmem:v18+s3+$0x0], $0xffff;
	v17 =	vadd.s32 v14, v17;
	v33 =	vadd.s32 $0x1, v16  }
0x181: {  	v57 =	vmul.f32 v21, v56;
	vm15 =	vlt.s32 v33, $0x32;
	v15 =	vsub.f32 v15, v55  }
0x182: {  	[tilespmem:v27+s26+$0x0] =	vst.idx.add.f32.msk $0xffff, v31;
	v59 =	vmul.f32 v26, v30;
	v16 =	vadd.s32 v16, v14;
	v58 =	vnsel vm15, $0x32, v33  }
0x183: {  	[tilespmem:v24+s26+$0x0] =	vst.idx.add.f32.msk $0xffff, v19;
	s21 =	sadd.s32 $0x1, s21;
	v60 =	vadd.s32 v14, v58;
	v14 =	vadd.s32 v14, v22;
	v61 =	vsub.f32 $1.000000000e+00, v15  }
0x184: {  	p0 =	sne.s32 s21, $0x20;
	v25 =	vmul.f32 v26, v25;
	[tilespmem:v28+s26+$0x0] =	vst.idx.add.f32.msk $0xffff, v57  }
.Ltmp8:
0x185: {  	[tilespmem:v20+s26+$0x0] =	vst.idx.add.f32.msk $0xffff, v59;
	v62 =	vmul.f32 v18, v61;
	(pc) =	sbr.rel @p0 .LBB2_16-.Ltmp8, $4  }
0x186: {  	v63 =	vmul.f32 v21, v23;
	[tilespmem:v17+s26+$0x0] =	vst.idx.add.f32.msk $0xffff, v25  }
0x187: {  	v15 =	vmul.f32 v18, v15;
	[tilespmem:v16+s26+$0x0] =	vst.idx.add.f32.msk $0xffff, v62  }
0x188: {  	[tilespmem:v14+s26+$0x0] =	vst.idx.add.f32.msk $0xffff, v63  }
0x189: {  	[tilespmem:v60+s26+$0x0] =	vst.idx.add.f32.msk $0xffff, v15  }
0x18a: {  	s1 =	simm.s32 $0x0  }
0x18b: {  	[hbm4b:s16+s1] =	stream.linear.scatter [tilespmem:s26], [sflag:$0x3], $0x6600, $0x38;
	[tilespmem:$0x19C80] =	vst v63  }
0x18c: {  	_ = 	snop  }
0x18d: {  	[tilespmem:s24], [sflag:$0x5] =	stream.linear.gather [hbm4b:s17+s1], $0x200, $0x38;
	[tilespmem:$0x19C80] =	vst v63  }
0x18e: {  	v14 =	vmov s1;
	_ =	swait.ge [sflag:s22], $0x200  }
0x18f: {  	v14 =	vshrl.u32 v14, $0x7;
	[sflag:s22] =	ssyncset.done $0x0  }
0x190: {  	v14 =	vshll.u32 v14, $0x7;
	[sflag:s22] =	ssyncadd.s32 $0xFFFFFE00  }
0x191: {  	v15 =	vbroadcast v14, $0x0;
	[tilespmem:s25], [sflag:$0x5] =	stream.linear.gather [hbm4b:s18+s1], $0x200, $0x38;
	[tilespmem:$0x19C80] =	vst v63  }
0x192: {  	_ =	swait.ge [sflag:s22], $0x200  }
0x193: {  	v14 =	vor.u32 v5, v15;
	[sflag:s22] =	ssyncset.done $0x0  }
0x194: {  	v16 =	vor.u32 v2, v15;
	[sflag:s22] =	ssyncadd.s32 $0xFFFFFE00  }
0x195: {  	s21 =	simm.s32 $0x80;
	v17 =	vor.u32 v9, v15;
	_ =	swait.ge [sflag:s0], $0x6600  }
0x196: {  	v18 =	vmov s21;
	v20 =	vor.u32 v8, v15;
	[sflag:s0] =	ssyncset.done $0x0  }
0x197: {  	v18 =	vshrl.u32 v18, $0x7;
	v22 =	vor.u32 v7, v15;
	[sflag:s0] =	ssyncadd.s32 $0xFFFF9A00  }
0x198: {  	v18 =	vshll.u32 v18, $0x7;
	v23 =	vor.u32 v6, v15;
	[tilespmem:v14+s29+$0x0] =	vst.idx.msk $0xffff, v1  }
0x199: {  	v19 =	vbroadcast v18, $0x0;
	[tilespmem:v16+s29+$0x0] =	vst.idx.msk $0xffff, v1;
	v14 =	vor.u32 v0, v15;
	v15 =	vor.u32 v3, v15  }
0x19a: {  	[tilespmem:v17+s29+$0x0] =	vst.idx.msk $0xffff, v1  }
0x19b: {  	v18 =	vor.u32 v5, v19;
	v21 =	vor.u32 v2, v19;
	[tilespmem:v20+s29+$0x0] =	vst.idx.msk $0xffff, v1  }
0x19c: {  	v16 =	vor.u32 v9, v19;
	v20 =	vor.u32 v0, v19;
	[tilespmem:v22+s29+$0x0] =	vst.idx.msk $0xffff, v1  }
0x19d: {  	s4 =	simm.s32 $0x100;
	s1 =	simm.s32 $0x8;
	v22 =	vor.u32 v3, v19;
	v17 =	vor.u32 v6, v19;
	[tilespmem:v23+s29+$0x0] =	vst.idx.msk $0xffff, v1  }
.LBB2_20:
0x19e: {  	v23 =	vmov s4;
	s1 =	sadd.s32 $0x8, s1;
	v24 =	vor.u32 v7, v19;
	v25 =	vor.u32 v8, v19;
	[tilespmem:v15+s29+$0x0] =	vst.idx.msk $0xffff, v1;
	v15 =	vmovc v22  }
0x19f: {  	v19 =	vshrl.u32 v23, $0x7;
	p0 =	slt.u32 s1, $0x658;
	[tilespmem:v14+s29+$0x0] =	vst.idx.msk $0xffff, v1;
	v14 =	vmov v20  }
0x1a0: {  	v19 =	vshll.u32 v19, $0x7;
	[tilespmem:v18+s29+$0x0] =	vst.idx.msk $0xffff, v1  }
.Ltmp9:
0x1a1: {  	v19 =	vbroadcast v19, $0x0;
	[tilespmem:v21+s29+$0x0] =	vst.idx.msk $0xffff, v1;
	(pc) =	sbr.rel @p0 .LBB2_20-.Ltmp9, $4  }
0x1a2: {  	[tilespmem:v16+s29+$0x0] =	vst.idx.msk $0xffff, v1  }
0x1a3: {  	v18 =	vor.u32 v5, v19;
	v16 =	vor.u32 v9, v19;
	[tilespmem:v25+s29+$0x0] =	vst.idx.msk $0xffff, v1  }
0x1a4: {  	v20 =	vor.u32 v0, v19;
	v21 =	vor.u32 v2, v19;
	[tilespmem:v24+s29+$0x0] =	vst.idx.msk $0xffff, v1  }
0x1a5: {  	s4 =	sadd.s32 $0x80, s4;
	v22 =	vor.u32 v3, v19;
	[tilespmem:v17+s29+$0x0] =	vst.idx.msk $0xffff, v1;
	v17 =	vor.u32 v6, v19  }
0x1a6: {  	_ =	sdelay $0x3  }
0x1a7: {  	[tilespmem:v15+s29+$0x0] =	vst.idx.msk $0xffff, v1  }
0x1a8: {  	[tilespmem:v14+s29+$0x0] =	vst.idx.msk $0xffff, v1  }
0x1a9: {  	[tilespmem:v18+s29+$0x0] =	vst.idx.msk $0xffff, v1  }
0x1aa: {  	v23 =	vor.u32 v8, v19;
	[tilespmem:v21+s29+$0x0] =	vst.idx.msk $0xffff, v1  }
0x1ab: {  	v15 =	vor.u32 v7, v19;
	[tilespmem:v16+s29+$0x0] =	vst.idx.msk $0xffff, v1  }
0x1ac: {  	[tilespmem:v17+s29+$0x0] =	vst.idx.msk $0xffff, v1  }
0x1ad: {  	[tilespmem:v22+s29+$0x0] =	vst.idx.msk $0xffff, v1  }
0x1ae: {  	[tilespmem:v20+s29+$0x0] =	vst.idx.msk $0xffff, v1  }
0x1af: {  	[tilespmem:v23+s29+$0x0] =	vst.idx.msk $0xffff, v1  }
0x1b0: {  	[tilespmem:v15+s29+$0x0] =	vst.idx.msk $0xffff, v1  }
0x1b1: {  	_ =	swait.ge [sflag:s30], $0x6600  }
0x1b2: {  	[sflag:s30] =	ssyncset.done $0x0  }
0x1b3: {  	s1 =	simm.s32 $0x0;
	s21 =	simm.s32 $0x0;
	[sflag:s30] =	ssyncadd.s32 $0xFFFF9A00  }
.LBB2_22:
0x1b4: {  	s4 =	sshll.u32 s21, $0x4  }
0x1b5: {  	v14 =	vor.u32 s4, v0;
	_ =	sdelay $0x4  }
0x1b6: {  	v15 =	vld.idx.msk [tilespmem:v14+s24+$0x0], $0xffff  }
0x1b7: {  	v14 =	vld.idx.msk [tilespmem:v14+s25+$0x0], $0xffff;
	_ =	sdelay $0x3  }
0x1b8: {  	s5 =	simm.s32 $0x1;
	v15 =	vadd.f32 $1.000000000e+01, v15  }
0x1b9: {  	v18 =	vmov s5;
	v14 =	vsub.f32 $1.000000000e+00, v14  }
0x1ba: {  	v18 =	vcvt.s32.f32 v18;
	v16 =	vmul.f32 v15, v11  }
0x1bb: {  	v17 =	vmul.f32 v14, v12;
	v15 =	vmul.f32 v14, v13;
	_ =	sdelay $0x1  }
0x1bc: {  	v16 =	vadd.f32 v17, v16;
	v17 =	vmul.f32 v18, v15;
	_ =	sdelay $0x1  }
0x1bd: {  	s8 =	simm.s32 $0x4;
	v17 =	vadd.f32 v17, v16  }
0x1be: {  	s6 =	simm.s32 $0x2;
	s9 =	simm.s32 $0x5;
	v28 =	vmov s8  }
0x1bf: {  	v30 =	vmov s9;
	v14 =	vmov s6;
	v17 =	vmax.f32 v17, $0.0e+00  }
0x1c0: {  	v28 =	vcvt.s32.f32 v28;
	v14 =	vcvt.s32.f32 v14;
	v20 =	vmin.f32 v17, $5.000000000e+01  }
0x1c1: {  	v30 =	vcvt.s32.f32 v30;
	v18 =	vmov s4;
	v17 =	vtrunc.f32 v20  }
0x1c2: {  	v14 =	vmul.f32 v14, v15;
	v18 =	vmul.u32 $0x33, v18;
	v24 =	vcvt.f32.s32 v17  }
0x1c3: {  	v28 =	vmul.f32 v28, v15;
	v30 =	vmul.f32 v30, v15  }
0x1c4: {  	v19 =	vadd.f32 v14, v16;
	v14 =	vadd.s32 v4, v18;
	v25 =	vcvt.s32.f32 v24  }
0x1c5: {  	v28 =	vadd.f32 v28, v16;
	v30 =	vadd.f32 v30, v16;
	v22 =	vadd.s32 s5, v14  }
0x1c6: {  	v19 =	vmax.f32 v19, $0.0e+00;
	v20 =	vsub.f32 v20, v25;
	v25 =	vmov s1  }
0x1c7: {  	v21 =	vadd.s32 s6, v14;
	v19 =	vmin.f32 v19, $5.000000000e+01;
	v25 =	vcvt.s32.f32 v25  }
0x1c8: {  	v31 =	vadd.s32 s9, v14;
	v32 =	vadd.s32 s8, v14;
	v23 =	vtrunc.f32 v19  }
0x1c9: {  	v17 =	vadd.s32 v10, v18;
	v23 =	vcvt.f32.s32 v23;
	v25 =	vmul.f32 v25, v15  }
0x1ca: {  	v18 =	vadd.s32 $0x1, v24;
	v22 =	vld.idx.msk [tilespmem:v22+s23+$0x0], $0xffff;
	v61 =	vadd.s32 v24, v14;
	v24 =	vmax.f32 v28, $0.0e+00  }
0x1cb: {  	v28 =	vmax.f32 v30, $0.0e+00;
	v26 =	vcvt.s32.f32 v23;
	v25 =	vadd.f32 v25, v16  }
0x1cc: {  	v21 =	vld.idx.msk [tilespmem:v21+s23+$0x0], $0xffff;
	v27 =	vadd.s32 $0x1, v23;
	vm0 =	vlt.s32 v18, $0x32;
	v23 =	vadd.s32 v23, v14  }
0x1cd: {  	v19 =	vsub.f32 v19, v26;
	v26 =	vsub.f32 $1.000000000e+00, v20;
	v25 =	vmax.f32 v25, $0.0e+00  }
0x1ce: {  	v30 =	vmin.f32 v24, $5.000000000e+01;
	vm1 =	vlt.s32 v27, $0x32;
	v25 =	vmin.f32 v25, $5.000000000e+01  }
0x1cf: {  	v29 =	vnsel vm1, $0x32, v27;
	v26 =	vmul.f32 v22, v26;
	v34 =	vtrunc.f32 v25  }
0x1d0: {  	v27 =	vsub.f32 $1.000000000e+00, v19;
	v22 =	vmul.f32 v22, v20;
	v20 =	vcvt.f32.s32 v34  }
0x1d1: {  	v35 =	vmin.f32 v28, $5.000000000e+01;
	v18 =	vnsel vm0, $0x32, v18;
	v19 =	vmul.f32 v21, v19  }
0x1d2: {  	v33 =	vadd.s32 v14, v18;
	v27 =	vmul.f32 v21, v27;
	v24 =	vcvt.s32.f32 v20  }
0x1d3: {  	v21 =	vadd.s32 $0x1, v20;
	v36 =	vadd.s32 v20, v14;
	v20 =	vtrunc.f32 v30  }
0x1d4: {  	v37 =	vld.idx.msk [tilespmem:v14+s23+$0x0], $0xffff;
	v18 =	vadd.s32 s1, v17;
	vm0 =	vlt.s32 v21, $0x32;
	v20 =	vcvt.f32.s32 v20  }
0x1d5: {  	v38 =	vsub.f32 v25, v24;
	v24 =	vtrunc.f32 v35;
	v21 =	vnsel vm0, $0x32, v21  }
0x1d6: {  	[tilespmem:v23+s29+$0x0] =	vst.idx.add.f32.msk $0xffff, v27;
	v28 =	vcvt.f32.s32 v24;
	v27 =	vadd.s32 v14, v21;
	v24 =	vadd.s32 v14, v29  }
0x1d7: {  	[tilespmem:v61+s29+$0x0] =	vst.idx.add.f32.msk $0xffff, v26;
	v23 =	vcvt.s32.f32 v20;
	v29 =	vadd.s32 $0x1, v20;
	v26 =	vsub.f32 $1.000000000e+00, v38  }
0x1d8: {  	s4 =	simm.s32 $0x3;
	[tilespmem:v33+s29+$0x0] =	vst.idx.add.f32.msk $0xffff, v22;
	vm0 =	vlt.s32 v29, $0x32;
	v22 =	vcvt.s32.f32 v28;
	v62 =	vadd.s32 $0x1, v28  }
0x1d9: {  	v21 =	vld.idx.msk [tilespmem:v31+s23+$0x0], $0xffff;
	v25 =	vsub.f32 v30, v23;
	v30 =	vmov s4;
	v63 =	vmul.f32 v37, v26  }
0x1da: {  	v31 =	vmul.f32 v37, v38;
	vm1 =	vlt.s32 v62, $0x32;
	v26 =	vld.idx.msk [tilespmem:v32+s23+$0x0], $0xffff;
	v32 =	vcvt.s32.f32 v30  }
0x1db: {  	s6 =	simm.s32 $0x6;
	v23 =	vsub.f32 v35, v22;
	v30 =	vsub.f32 $1.000000000e+00, v25;
	v22 =	vnsel vm1, $0x32, v62;
	[tilespmem:v36+s29+$0x0] =	vst.idx.add.f32.msk $0xffff, v63  }
.LBB2_23:
0x1dc: {  	s7 =	sadd.s32 $0x1, s6  }
0x1dd: {  	s8 =	sadd.s32 $0x2, s6;
	v29 =	vnsel vm0, $0x32, v29;
	v28 =	vadd.s32 v28, v14;
	v33 =	vsub.f32 $1.000000000e+00, v23;
	[tilespmem:v27+s29+$0x0] =	vst.idx.add.f32.msk $0xffff, v31;
	s9 =	smov.u32 s6;
	s5 =	sadd.s32 $0x3, s6  }
0x1de: {  	p0 =	slt.u32 s6, $0x30;
	v27 =	vmov s7;
	v31 =	vmov s8;
	v32 =	vmul.f32 v32, v15;
	[tilespmem:v24+s29+$0x0] =	vst.idx.add.f32.msk $0xffff, v19  }
0x1df: {  	v19 =	vcvt.s32.f32 v27;
	v24 =	vcvt.s32.f32 v31;
	v31 =	vadd.s32 s8, v14  }
0x1e0: {  	v30 =	vmul.f32 v26, v30;
	v27 =	vadd.f32 v32, v16;
	v32 =	vmul.f32 v21, v33  }
0x1e1: {  	v33 =	vadd.s32 s7, v14;
	v19 =	vmul.f32 v19, v15;
	v24 =	vmul.f32 v24, v15  }
0x1e2: {  	v29 =	vadd.s32 v14, v29;
	v25 =	vmul.f32 v26, v25;
	v27 =	vmax.f32 v27, $0.0e+00;
	[tilespmem:v28+s29+$0x0] =	vst.idx.add.f32.msk $0xffff, v32  }
0x1e3: {  	v19 =	vadd.f32 v19, v16;
	v24 =	vadd.f32 v24, v16;
	v26 =	vmin.f32 v27, $5.000000000e+01  }
0x1e4: {  	v28 =	vadd.s32 s4, v17;
	v32 =	vadd.s32 v20, v14;
	s4 =	smov.u32 s9;
	v27 =	vtrunc.f32 v26  }
0x1e5: {  	v19 =	vmax.f32 v19, $0.0e+00;
	v20 =	vmax.f32 v24, $0.0e+00;
	v24 =	vcvt.f32.s32 v27  }
0x1e6: {  	v34 =	vmin.f32 v19, $5.000000000e+01;
	v35 =	vmin.f32 v20, $5.000000000e+01;
	v19 =	vmul.f32 v21, v23  }
0x1e7: {  	v21 =	vcvt.s32.f32 v24;
	v23 =	vadd.s32 $0x1, v24;
	v36 =	vld.idx.msk [tilespmem:v18+s23+$0x0], $0xffff;
	v37 =	vadd.s32 v24, v14;
	v18 =	vmovc v28  }
0x1e8: {  	v20 =	vtrunc.f32 v34;
	v24 =	vtrunc.f32 v35;
	vm0 =	vlt.s32 v23, $0x32  }
0x1e9: {  	v20 =	vcvt.f32.s32 v20;
	v38 =	vsub.f32 v26, v21;
	v21 =	vnsel vm0, $0x32, v23;
	[tilespmem:v32+s29+$0x0] =	vst.idx.add.f32.msk $0xffff, v30  }
0x1ea: {  	v28 =	vcvt.f32.s32 v24;
	v24 =	vadd.s32 v14, v22;
	v27 =	vadd.s32 v14, v21;
	[tilespmem:v29+s29+$0x0] =	vst.idx.add.f32.msk $0xffff, v25  }
.Ltmp10:
0x1eb: {  	v22 =	vcvt.s32.f32 v20;
	v29 =	vadd.s32 $0x1, v20;
	v23 =	vsub.f32 $1.000000000e+00, v38;
	(pc) =	sbr.rel @p0 .LBB2_23-.Ltmp10, $4  }
0x1ec: {  	v30 =	vcvt.s32.f32 v28;
	v39 =	vadd.s32 $0x1, v28;
	vm0 =	vlt.s32 v29, $0x32;
	v21 =	vld.idx.msk [tilespmem:v31+s23+$0x0], $0xffff  }
0x1ed: {  	vm1 =	vlt.s32 v39, $0x32;
	v25 =	vsub.f32 v34, v22;
	v26 =	vld.idx.msk [tilespmem:v33+s23+$0x0], $0xffff;
	v33 =	vmul.f32 v36, v23  }
0x1ee: {  	v22 =	vmov s4;
	v31 =	vmul.f32 v36, v38;
	v23 =	vsub.f32 v35, v30  }
0x1ef: {  	s6 =	smov.u32 s5;
	v32 =	vcvt.s32.f32 v22;
	v22 =	vnsel vm1, $0x32, v39;
	v30 =	vsub.f32 $1.000000000e+00, v25;
	[tilespmem:v37+s29+$0x0] =	vst.idx.add.f32.msk $0xffff, v33  }
0x1f0: {  	_ = 	snop  }
0x1f1: {  	v15 =	vmul.f32 v32, v15;
	_ =	sdelay $0x1  }
0x1f2: {  	v15 =	vadd.f32 v15, v16;
	_ =	sdelay $0x1  }
0x1f3: {  	v15 =	vmax.f32 v15, $0.0e+00  }
0x1f4: {  	v15 =	vmin.f32 v15, $5.000000000e+01  }
0x1f5: {  	v54 =	vtrunc.f32 v15  }
0x1f6: {  	v16 =	vcvt.f32.s32 v54  }
0x1f7: {  	v17 =	vnsel vm0, $0x32, v29  }
0x1f8: {  	v28 =	vadd.s32 v28, v14;
	v56 =	vsub.f32 $1.000000000e+00, v23;
	v55 =	vcvt.s32.f32 v16  }
0x1f9: {  	v20 =	vadd.s32 v20, v14;
	v18 =	vld.idx.msk [tilespmem:v18+s23+$0x0], $0xffff;
	v17 =	vadd.s32 v14, v17;
	v33 =	vadd.s32 $0x1, v16  }
0x1fa: {  	v57 =	vmul.f32 v21, v56;
	vm15 =	vlt.s32 v33, $0x32;
	v15 =	vsub.f32 v15, v55  }
0x1fb: {  	[tilespmem:v27+s29+$0x0] =	vst.idx.add.f32.msk $0xffff, v31;
	v59 =	vmul.f32 v26, v30;
	v16 =	vadd.s32 v16, v14;
	v58 =	vnsel vm15, $0x32, v33  }
0x1fc: {  	[tilespmem:v24+s29+$0x0] =	vst.idx.add.f32.msk $0xffff, v19;
	s21 =	sadd.s32 $0x1, s21;
	v60 =	vadd.s32 v14, v58;
	v14 =	vadd.s32 v14, v22;
	v61 =	vsub.f32 $1.000000000e+00, v15  }
0x1fd: {  	p0 =	sne.s32 s21, $0x20;
	v25 =	vmul.f32 v26, v25;
	[tilespmem:v28+s29+$0x0] =	vst.idx.add.f32.msk $0xffff, v57  }
.Ltmp11:
0x1fe: {  	[tilespmem:v20+s29+$0x0] =	vst.idx.add.f32.msk $0xffff, v59;
	v62 =	vmul.f32 v18, v61;
	(pc) =	sbr.rel @p0 .LBB2_22-.Ltmp11, $4  }
0x1ff: {  	v63 =	vmul.f32 v21, v23;
	[tilespmem:v17+s29+$0x0] =	vst.idx.add.f32.msk $0xffff, v25  }
0x200: {  	v15 =	vmul.f32 v18, v15;
	[tilespmem:v16+s29+$0x0] =	vst.idx.add.f32.msk $0xffff, v62  }
0x201: {  	[tilespmem:v14+s29+$0x0] =	vst.idx.add.f32.msk $0xffff, v63  }
0x202: {  	[tilespmem:v60+s29+$0x0] =	vst.idx.add.f32.msk $0xffff, v15  }
0x203: {  	[hbm4b:s19+s3] =	stream.linear.scatter [tilespmem:s29], [sflag:$0x4], $0x6600, $0x38;
	[tilespmem:$0x19C80] =	vst v63  }
0x204: {  	s2 =	sadd.s32 $0x1, s2  }
0x205: {  	_ =	swait.ge [sflag:s31], $0x6600;
	p0 =	sne.s32 s2, s20  }
.Ltmp12:
0x206: {  	[sflag:s31] =	ssyncset.done $0x0;
	(pc) =	sbr.rel @p0 .LBB2_1-.Ltmp12, $4  }
0x207: {  	[sflag:s31] =	ssyncadd.s32 $0xFFFF9A00  }
0x208: {  	_ =	swait.ge [sflag:s0], $0x6600  }
0x209: {  	[sflag:s0] =	ssyncset.done $0x0  }
0x20a: {  	[sflag:s0] =	ssyncadd.s32 $0xFFFF9A00  }
0x20b: {  	_ =	sfence.sel $0x180000  }
0x20c: {  	[bflag:$0x0] =	sbarrier.arrive $0xFFFF  }
0x20d: {  	_ =	strace $0x90000047  }
0x20e: {  	s0 =	stileid.u32;
	[bflag:$0x2] =	sbarrier.arrive $0xFFFF  }
0x20f: {  	p0 =	sne.s32 s0, $0x0;
	s0 =	rddreg [dreg:$0x4]  }
0x210: {  	s0 =	sadd.s32 @!p0 $0x100000, s0  }
0x211: {  	[sflag:s0] =	ssyncadd.tile.s32 @!p0 $0x1;
	_ =	shalt  }
.Lfunc_end2:
_tile_overlayer_lowered:
.L_overlay_start_2:
0x212: {  	(tag) =	ssettag $0x2  }
0x213: {  	s0 =	rddreg [dreg:$0x0];
	s2 =	stileid.u32  }
0x214: {  	s1 =	rddreg [dreg:$0x1];
	p0 =	sne.s32 s2, $0x0  }
0x215: {  	s3 =	rddreg [dreg:$0x2];
	[bflag:$0x3] =	sbarrier.arrive $0xFFFF;
	s2 =	simm.s32 @!p0 $0x1C05  }
0x216: {  	[timem:s3], [sflag:s2] =	dma.local @!p0 [hbm:s0], s1  }
0x217: {  	s0 =	simm.s32 @!p0 $0x5  }
0x218: {  	_ =	swait.ge @!p0 [sflag:s0], s1  }
0x219: {  	s1 =	ssub.s32 @!p0 $0x0, s1;
	[sflag:s0] =	ssyncset.done @!p0 $0x0  }
0x21a: {  	[sflag:s0] =	ssyncadd.s32 @!p0 s1  }
0x21b: {  	[bflag:$0x3] =	sbarrier.arrive $0xFFFF  }
0x21c: {  	_ =	shalt  }

</sc_bundles>
